<compile_context>
chip_gen: v7x
topology: tpu7x:2x2x1
jax: 0.10.2.dev20260603
libtpu: 0.0.44.dev20260713+nightly
codegen_flags: <defaults>
</compile_context>

<pallas_src>
import functools

import jax
import jax.numpy as jnp
from jax import lax
from jax.experimental import pallas as pl
from jax.experimental.pallas import tpu as pltpu
from jax.experimental.pallas import tpu_sc as plsc

D = 64
NC = 2
NS = 16
NW = NC * NS
SEQ = 200
G1 = 128
G2 = SEQ - G1
NBUF = 4
AHEAD = NBUF - 1


@functools.partial(jax.jit, static_argnums=(2, 3))
def _gather_rows(idx_flat, table, nb, ns):
    b_per_w = nb // NW
    assert b_per_w % NBUF == 0
    mesh = plsc.VectorSubcoreMesh(core_axis_name="c", subcore_axis_name="s")

    @functools.partial(
        pl.kernel,
        mesh=mesh,
        out_type=jax.ShapeDtypeStruct((nb, ns, 128), jnp.float32),
        scratch_types=[
            pltpu.VMEM((NBUF, SEQ), jnp.int32),
            pltpu.VMEM((NBUF, SEQ, D), jnp.float32),
            pltpu.SemaphoreType.DMA((NBUF,)),
            pltpu.SemaphoreType.DMA((NBUF,)),
        ],
        compiler_params=pltpu.CompilerParams(use_tc_tiling_on_sc=False),
    )
    def k(table_hbm, idx_hbm, out_hbm, idx_v, rows_v, sem_g, sem_w):
        wid = lax.axis_index("s") * NC + lax.axis_index("c")
        b0 = wid * b_per_w

        def fire(c, sl):
            pltpu.sync_copy(idx_hbm.at[pl.ds((b0 + c) * SEQ, SEQ)], idx_v.at[sl])
            pltpu.async_copy(
                table_hbm.at[idx_v.at[sl, pl.ds(0, G1)]],
                rows_v.at[sl, pl.ds(0, G1)],
                sem_g.at[sl],
            )
            pltpu.async_copy(
                table_hbm.at[idx_v.at[sl, pl.ds(G1, G2)]],
                rows_v.at[sl, pl.ds(G1, G2)],
                sem_g.at[sl],
            )

        def wait_gathers(sl):
            pltpu.make_async_copy(
                table_hbm.at[idx_v.at[sl, pl.ds(0, G1)]],
                rows_v.at[sl, pl.ds(0, G1)],
                sem_g.at[sl],
            ).wait()
            pltpu.make_async_copy(
                table_hbm.at[idx_v.at[sl, pl.ds(G1, G2)]],
                rows_v.at[sl, pl.ds(G1, G2)],
                sem_g.at[sl],
            ).wait()

        def write(c, sl):
            pltpu.async_copy(
                rows_v.at[sl], out_hbm.at[b0 + c, :, pl.ds(0, D)], sem_w.at[sl]
            )

        def wait_write(c, sl):
            pltpu.make_async_copy(
                rows_v.at[sl], out_hbm.at[b0 + c, :, pl.ds(0, D)], sem_w.at[sl]
            ).wait()

        for sl in range(AHEAD):
            fire(sl, sl)

        def body(g, _):
            for sl in range(NBUF):
                c = g * NBUF + sl
                wait_gathers(sl)
                write(c, sl)
                sp = (sl + AHEAD) % NBUF

                @pl.when(c >= 1)
                def _():
                    wait_write(c - 1, sp)

                @pl.when(c + AHEAD < b_per_w)
                def _():
                    fire(c + AHEAD, sp)
            return 0

        lax.fori_loop(0, b_per_w // NBUF, body, 0)
        wait_write(b_per_w - 1, (b_per_w - 1) % NBUF)

    return k(table, idx_flat)


def kernel(input_sentence, embeddings):
    nb, ns = input_sentence.shape
    idx_flat = input_sentence.reshape(nb * ns)
    out = _gather_rows(idx_flat, embeddings, nb, ns)
    return out[:, :, :D]

# --- scband reference (transcript-rebuilt; emitter-appended) ---
"""Pipeline reference for scband-sentence-classification-model-78091095375923 (READ-ONLY COPY).

The authoritative reference and input builder live on the scoring server;
editing this copy changes nothing except your own understanding.
"""

import jax, jax.numpy as jnp
import numpy as np

VOCAB = 1000000
EMBED_DIM = 64
BATCH = 4096
SEQ_LEN = 200

def setup_inputs(seed: int = 0) -> dict:
    key = jax.random.key(seed)
    k_idx, k_emb = jax.random.split(key)
    input_sentence = jax.random.randint(k_idx, (BATCH, SEQ_LEN), 0, VOCAB, dtype=jnp.int32)
    embeddings = jax.random.normal(k_emb, (VOCAB, EMBED_DIM), dtype=jnp.float32) * 0.05
    return {"input_sentence": input_sentence, "embeddings": embeddings}

def reference(input_sentence, embeddings):
    # tf.nn.embedding_lookup(embeddings_weight, input_sentence)
    embeddings_sentence = jnp.take(embeddings, input_sentence, axis=0)
    return embeddings_sentence

if __name__ == "__main__":
    import jax
    _d = setup_inputs()
    print(jax.jit(kernel)(*tuple(_d.values())))

</pallas_src>

<mosaic_0001>
#map = affine_map<(d0, d1) -> (0, 0)>
#map1 = affine_map<(d0, d1) -> (0)>
#map2 = affine_map<(d0, d1) -> (0, 0, 0)>
module attributes {stable_mosaic.version = 14 : i64} {
  func.func @k(%arg0: i32, %arg1: i32, %arg2: memref<1000000x64xf32, #tpu.memory_space<hbm>>, %arg3: memref<819200xi32, #tpu.memory_space<hbm>>, %arg4: memref<4096x200x128xf32, #tpu.memory_space<hbm>>, %arg5: memref<4x200xi32, #tpu.memory_space<vmem>>, %arg6: memref<4x200x64xf32, #tpu.memory_space<vmem>>, %arg7: memref<4x!tpu.dma_semaphore, #tpu.memory_space<semaphore_mem>>, %arg8: memref<4x!tpu.dma_semaphore, #tpu.memory_space<semaphore_mem>>) attributes {dimension_semantics = [#tpu.dimension_semantics<core_parallel>, #tpu.dimension_semantics<subcore_parallel>], iteration_bounds = array<i64: 2, 16>, scalar_prefetch = 0 : i64, scratch_operands = 4 : i64, tpu.core_type = #tpu.core_type<sc_vector_subcore>, window_params = [{transform_indices = #map}, {transform_indices = #map1}, {transform_indices = #map2}]} {
    %mul3A = arith.constant 2 : i32
    %mul3A_0 = arith.muli %arg1, %mul3A : i32
    %add3A = arith.addi %mul3A_0, %arg0 : i32
    %mul3A_1 = arith.constant 128 : i32
    %mul3A_2 = arith.muli %add3A, %mul3A_1 : i32
    %add3A_3 = arith.constant 0 : i32
    %add3A_4 = arith.addi %mul3A_2, %add3A_3 : i32
    %mul3A_5 = arith.constant 200 : i32
    %mul3A_6 = arith.muli %add3A_4, %mul3A_5 : i32
    %run_scoped3A = arith.constant 0 : i32
    "tpu.region"() ({
      %run_scoped3A_133 = tpu.sem_alloc : memref<!tpu.dma_semaphore, #tpu.memory_space<semaphore_mem>>
      %dma_start3A_134 = arith.constant 0 : i32
      %dma_start3A_135 = tpu.memref_slice %arg5[%run_scoped3A, %dma_start3A_134] : memref<4x200xi32, #tpu.memory_space<vmem>> -> memref<1x200xi32, #tpu.memory_space<vmem>>
      %dma_start3A_136 = tpu.memref_squeeze %dma_start3A_135 : memref<1x200xi32, #tpu.memory_space<vmem>> -> memref<200xi32, #tpu.memory_space<vmem>>
      %dma_start3A_137 = tpu.memref_slice %arg3[%mul3A_6] : memref<819200xi32, #tpu.memory_space<hbm>> -> memref<200xi32, #tpu.memory_space<hbm>>
      %dma_start3A_138 = arith.constant 0 : i32
      %dma_start3A_139 = tpu.memref_slice %arg5[%run_scoped3A, %dma_start3A_138] : memref<4x200xi32, #tpu.memory_space<vmem>> -> memref<1x200xi32, #tpu.memory_space<vmem>>
      %dma_start3A_140 = tpu.memref_squeeze %dma_start3A_139 : memref<1x200xi32, #tpu.memory_space<vmem>> -> memref<200xi32, #tpu.memory_space<vmem>>
      %dma_start3A_141 = tpu.memref_slice %arg3[%mul3A_6] : memref<819200xi32, #tpu.memory_space<hbm>> -> memref<200xi32, #tpu.memory_space<hbm>>
      tpu.enqueue_dma source(%dma_start3A_141 : memref<200xi32, #tpu.memory_space<hbm>>) target(%dma_start3A_140 : memref<200xi32, #tpu.memory_space<vmem>>) target_semaphore(%run_scoped3A_133 : memref<!tpu.dma_semaphore, #tpu.memory_space<semaphore_mem>>)
      %dma_wait3A_142 = arith.constant 0 : i32
      %dma_wait3A_143 = tpu.memref_slice %arg5[%run_scoped3A, %dma_wait3A_142] : memref<4x200xi32, #tpu.memory_space<vmem>> -> memref<1x200xi32, #tpu.memory_space<vmem>>
      %dma_wait3A_144 = tpu.memref_squeeze %dma_wait3A_143 : memref<1x200xi32, #tpu.memory_space<vmem>> -> memref<200xi32, #tpu.memory_space<vmem>>
      %dma_wait3A_145 = tpu.memref_slice %arg3[%mul3A_6] : memref<819200xi32, #tpu.memory_space<hbm>> -> memref<200xi32, #tpu.memory_space<hbm>>
      %dma_wait3A_146 = arith.constant 0 : i32
      %dma_wait3A_147 = tpu.memref_slice %arg5[%run_scoped3A, %dma_wait3A_146] : memref<4x200xi32, #tpu.memory_space<vmem>> -> memref<1x200xi32, #tpu.memory_space<vmem>>
      %dma_wait3A_148 = tpu.memref_squeeze %dma_wait3A_147 : memref<1x200xi32, #tpu.memory_space<vmem>> -> memref<200xi32, #tpu.memory_space<vmem>>
      %dma_wait3A_149 = tpu.memref_slice %arg3[%mul3A_6] : memref<819200xi32, #tpu.memory_space<hbm>> -> memref<200xi32, #tpu.memory_space<hbm>>
      tpu.wait_dma2 semaphore(%run_scoped3A_133 : memref<!tpu.dma_semaphore, #tpu.memory_space<semaphore_mem>>) src(%dma_wait3A_149 : memref<200xi32, #tpu.memory_space<hbm>>) dst(%dma_wait3A_148 : memref<200xi32, #tpu.memory_space<vmem>>)
      tpu.yield
    }) : () -> ()
    %dma_start3A = arith.constant 0 : i32
    %dma_start3A_7 = arith.constant 0 : i32
    %dma_start3A_8 = arith.constant 0 : i32
    %dma_start3A_9 = arith.constant 0 : i32
    %dma_start3A_10 = arith.constant 0 : i32
    %dma_start3A_11 = tpu.memref_slice %arg6[%dma_start3A_7, %dma_start3A_9, %dma_start3A_10] : memref<4x200x64xf32, #tpu.memory_space<vmem>> -> memref<1x128x64xf32, #tpu.memory_space<vmem>>
    %dma_start3A_12 = tpu.memref_squeeze %dma_start3A_11 : memref<1x128x64xf32, #tpu.memory_space<vmem>> -> memref<128x64xf32, #tpu.memory_space<vmem>>
    %dma_start3A_13 = arith.constant 0 : i32
    %dma_start3A_14 = tpu.memref_slice %arg5[%dma_start3A, %dma_start3A_13] : memref<4x200xi32, #tpu.memory_space<vmem>> -> memref<1x128xi32, #tpu.memory_space<vmem>>
    %dma_start3A_15 = tpu.memref_squeeze %dma_start3A_14 : memref<1x128xi32, #tpu.memory_space<vmem>> -> memref<128xi32, #tpu.memory_space<vmem>>
    %dma_start3A_16 = arith.constant 0 : i32
    %dma_start3A_17 = arith.constant 0 : i32
    %dma_start3A_18 = tpu.memref_slice %arg2[%dma_start3A_16, %dma_start3A_17] : memref<1000000x64xf32, #tpu.memory_space<hbm>> -> memref<1000000x64xf32, #tpu.memory_space<hbm>>
    %dma_start3A_19 = tpu.memref_slice %arg7[%dma_start3A_8] : memref<4x!tpu.dma_semaphore, #tpu.memory_space<semaphore_mem>> -> memref<1x!tpu.dma_semaphore, #tpu.memory_space<semaphore_mem>>
    %dma_start3A_20 = tpu.memref_squeeze %dma_start3A_19 : memref<1x!tpu.dma_semaphore, #tpu.memory_space<semaphore_mem>> -> memref<!tpu.dma_semaphore, #tpu.memory_space<semaphore_mem>>
    tpu.enqueue_indirect_dma source(%dma_start3A_18 : memref<1000000x64xf32, #tpu.memory_space<hbm>>) target(%dma_start3A_12 : memref<128x64xf32, #tpu.memory_space<vmem>>) offsets(%dma_start3A_15 : memref<128xi32, #tpu.memory_space<vmem>>) semaphore(%dma_start3A_20 : memref<!tpu.dma_semaphore, #tpu.memory_space<semaphore_mem>>)
    %dma_start3A_21 = arith.constant 0 : i32
    %dma_start3A_22 = arith.constant 0 : i32
    %dma_start3A_23 = arith.constant 0 : i32
    %dma_start3A_24 = arith.constant 128 : i32
    %dma_start3A_25 = arith.constant 0 : i32
    %dma_start3A_26 = tpu.memref_slice %arg6[%dma_start3A_22, %dma_start3A_24, %dma_start3A_25] : memref<4x200x64xf32, #tpu.memory_space<vmem>> -> memref<1x72x64xf32, #tpu.memory_space<vmem>>
    %dma_start3A_27 = tpu.memref_squeeze %dma_start3A_26 : memref<1x72x64xf32, #tpu.memory_space<vmem>> -> memref<72x64xf32, #tpu.memory_space<vmem>>
    %dma_start3A_28 = arith.constant 128 : i32
    %dma_start3A_29 = tpu.memref_slice %arg5[%dma_start3A_21, %dma_start3A_28] : memref<4x200xi32, #tpu.memory_space<vmem>> -> memref<1x72xi32, #tpu.memory_space<vmem>>
    %dma_start3A_30 = tpu.memref_squeeze %dma_start3A_29 : memref<1x72xi32, #tpu.memory_space<vmem>> -> memref<72xi32, #tpu.memory_space<vmem>>
    %dma_start3A_31 = arith.constant 0 : i32
    %dma_start3A_32 = arith.constant 0 : i32
    %dma_start3A_33 = tpu.memref_slice %arg2[%dma_start3A_31, %dma_start3A_32] : memref<1000000x64xf32, #tpu.memory_space<hbm>> -> memref<1000000x64xf32, #tpu.memory_space<hbm>>
    %dma_start3A_34 = tpu.memref_slice %arg7[%dma_start3A_23] : memref<4x!tpu.dma_semaphore, #tpu.memory_space<semaphore_mem>> -> memref<1x!tpu.dma_semaphore, #tpu.memory_space<semaphore_mem>>
    %dma_start3A_35 = tpu.memref_squeeze %dma_start3A_34 : memref<1x!tpu.dma_semaphore, #tpu.memory_space<semaphore_mem>> -> memref<!tpu.dma_semaphore, #tpu.memory_space<semaphore_mem>>
    tpu.enqueue_indirect_dma source(%dma_start3A_33 : memref<1000000x64xf32, #tpu.memory_space<hbm>>) target(%dma_start3A_27 : memref<72x64xf32, #tpu.memory_space<vmem>>) offsets(%dma_start3A_30 : memref<72xi32, #tpu.memory_space<vmem>>) semaphore(%dma_start3A_35 : memref<!tpu.dma_semaphore, #tpu.memory_space<semaphore_mem>>)
    %add3A_36 = arith.constant 1 : i32
    %add3A_37 = arith.addi %mul3A_2, %add3A_36 : i32
    %mul3A_38 = arith.constant 200 : i32
    %mul3A_39 = arith.muli %add3A_37, %mul3A_38 : i32
    %run_scoped3A_40 = arith.constant 1 : i32
    "tpu.region"() ({
      %run_scoped3A_133 = tpu.sem_alloc : memref<!tpu.dma_semaphore, #tpu.memory_space<semaphore_mem>>
      %dma_start3A_134 = arith.constant 0 : i32
      %dma_start3A_135 = tpu.memref_slice %arg5[%run_scoped3A_40, %dma_start3A_134] : memref<4x200xi32, #tpu.memory_space<vmem>> -> memref<1x200xi32, #tpu.memory_space<vmem>>
      %dma_start3A_136 = tpu.memref_squeeze %dma_start3A_135 : memref<1x200xi32, #tpu.memory_space<vmem>> -> memref<200xi32, #tpu.memory_space<vmem>>
      %dma_start3A_137 = tpu.memref_slice %arg3[%mul3A_39] : memref<819200xi32, #tpu.memory_space<hbm>> -> memref<200xi32, #tpu.memory_space<hbm>>
      %dma_start3A_138 = arith.constant 0 : i32
      %dma_start3A_139 = tpu.memref_slice %arg5[%run_scoped3A_40, %dma_start3A_138] : memref<4x200xi32, #tpu.memory_space<vmem>> -> memref<1x200xi32, #tpu.memory_space<vmem>>
      %dma_start3A_140 = tpu.memref_squeeze %dma_start3A_139 : memref<1x200xi32, #tpu.memory_space<vmem>> -> memref<200xi32, #tpu.memory_space<vmem>>
      %dma_start3A_141 = tpu.memref_slice %arg3[%mul3A_39] : memref<819200xi32, #tpu.memory_space<hbm>> -> memref<200xi32, #tpu.memory_space<hbm>>
      tpu.enqueue_dma source(%dma_start3A_141 : memref<200xi32, #tpu.memory_space<hbm>>) target(%dma_start3A_140 : memref<200xi32, #tpu.memory_space<vmem>>) target_semaphore(%run_scoped3A_133 : memref<!tpu.dma_semaphore, #tpu.memory_space<semaphore_mem>>)
      %dma_wait3A_142 = arith.constant 0 : i32
      %dma_wait3A_143 = tpu.memref_slice %arg5[%run_scoped3A_40, %dma_wait3A_142] : memref<4x200xi32, #tpu.memory_space<vmem>> -> memref<1x200xi32, #tpu.memory_space<vmem>>
      %dma_wait3A_144 = tpu.memref_squeeze %dma_wait3A_143 : memref<1x200xi32, #tpu.memory_space<vmem>> -> memref<200xi32, #tpu.memory_space<vmem>>
      %dma_wait3A_145 = tpu.memref_slice %arg3[%mul3A_39] : memref<819200xi32, #tpu.memory_space<hbm>> -> memref<200xi32, #tpu.memory_space<hbm>>
      %dma_wait3A_146 = arith.constant 0 : i32
      %dma_wait3A_147 = tpu.memref_slice %arg5[%run_scoped3A_40, %dma_wait3A_146] : memref<4x200xi32, #tpu.memory_space<vmem>> -> memref<1x200xi32, #tpu.memory_space<vmem>>
      %dma_wait3A_148 = tpu.memref_squeeze %dma_wait3A_147 : memref<1x200xi32, #tpu.memory_space<vmem>> -> memref<200xi32, #tpu.memory_space<vmem>>
      %dma_wait3A_149 = tpu.memref_slice %arg3[%mul3A_39] : memref<819200xi32, #tpu.memory_space<hbm>> -> memref<200xi32, #tpu.memory_space<hbm>>
      tpu.wait_dma2 semaphore(%run_scoped3A_133 : memref<!tpu.dma_semaphore, #tpu.memory_space<semaphore_mem>>) src(%dma_wait3A_149 : memref<200xi32, #tpu.memory_space<hbm>>) dst(%dma_wait3A_148 : memref<200xi32, #tpu.memory_space<vmem>>)
      tpu.yield
    }) : () -> ()
    %dma_start3A_41 = arith.constant 1 : i32
    %dma_start3A_42 = arith.constant 1 : i32
    %dma_start3A_43 = arith.constant 1 : i32
    %dma_start3A_44 = arith.constant 0 : i32
    %dma_start3A_45 = arith.constant 0 : i32
    %dma_start3A_46 = tpu.memref_slice %arg6[%dma_start3A_42, %dma_start3A_44, %dma_start3A_45] : memref<4x200x64xf32, #tpu.memory_space<vmem>> -> memref<1x128x64xf32, #tpu.memory_space<vmem>>
    %dma_start3A_47 = tpu.memref_squeeze %dma_start3A_46 : memref<1x128x64xf32, #tpu.memory_space<vmem>> -> memref<128x64xf32, #tpu.memory_space<vmem>>
    %dma_start3A_48 = arith.constant 0 : i32
    %dma_start3A_49 = tpu.memref_slice %arg5[%dma_start3A_41, %dma_start3A_48] : memref<4x200xi32, #tpu.memory_space<vmem>> -> memref<1x128xi32, #tpu.memory_space<vmem>>
    %dma_start3A_50 = tpu.memref_squeeze %dma_start3A_49 : memref<1x128xi32, #tpu.memory_space<vmem>> -> memref<128xi32, #tpu.memory_space<vmem>>
    %dma_start3A_51 = arith.constant 0 : i32
    %dma_start3A_52 = arith.constant 0 : i32
    %dma_start3A_53 = tpu.memref_slice %arg2[%dma_start3A_51, %dma_start3A_52] : memref<1000000x64xf32, #tpu.memory_space<hbm>> -> memref<1000000x64xf32, #tpu.memory_space<hbm>>
    %dma_start3A_54 = tpu.memref_slice %arg7[%dma_start3A_43] : memref<4x!tpu.dma_semaphore, #tpu.memory_space<semaphore_mem>> -> memref<1x!tpu.dma_semaphore, #tpu.memory_space<semaphore_mem>>
    %dma_start3A_55 = tpu.memref_squeeze %dma_start3A_54 : memref<1x!tpu.dma_semaphore, #tpu.memory_space<semaphore_mem>> -> memref<!tpu.dma_semaphore, #tpu.memory_space<semaphore_mem>>
    tpu.enqueue_indirect_dma source(%dma_start3A_53 : memref<1000000x64xf32, #tpu.memory_space<hbm>>) target(%dma_start3A_47 : memref<128x64xf32, #tpu.memory_space<vmem>>) offsets(%dma_start3A_50 : memref<128xi32, #tpu.memory_space<vmem>>) semaphore(%dma_start3A_55 : memref<!tpu.dma_semaphore, #tpu.memory_space<semaphore_mem>>)
    %dma_start3A_56 = arith.constant 1 : i32
    %dma_start3A_57 = arith.constant 1 : i32
    %dma_start3A_58 = arith.constant 1 : i32
    %dma_start3A_59 = arith.constant 128 : i32
    %dma_start3A_60 = arith.constant 0 : i32
    %dma_start3A_61 = tpu.memref_slice %arg6[%dma_start3A_57, %dma_start3A_59, %dma_start3A_60] : memref<4x200x64xf32, #tpu.memory_space<vmem>> -> memref<1x72x64xf32, #tpu.memory_space<vmem>>
    %dma_start3A_62 = tpu.memref_squeeze %dma_start3A_61 : memref<1x72x64xf32, #tpu.memory_space<vmem>> -> memref<72x64xf32, #tpu.memory_space<vmem>>
    %dma_start3A_63 = arith.constant 128 : i32
    %dma_start3A_64 = tpu.memref_slice %arg5[%dma_start3A_56, %dma_start3A_63] : memref<4x200xi32, #tpu.memory_space<vmem>> -> memref<1x72xi32, #tpu.memory_space<vmem>>
    %dma_start3A_65 = tpu.memref_squeeze %dma_start3A_64 : memref<1x72xi32, #tpu.memory_space<vmem>> -> memref<72xi32, #tpu.memory_space<vmem>>
    %dma_start3A_66 = arith.constant 0 : i32
    %dma_start3A_67 = arith.constant 0 : i32
    %dma_start3A_68 = tpu.memref_slice %arg2[%dma_start3A_66, %dma_start3A_67] : memref<1000000x64xf32, #tpu.memory_space<hbm>> -> memref<1000000x64xf32, #tpu.memory_space<hbm>>
    %dma_start3A_69 = tpu.memref_slice %arg7[%dma_start3A_58] : memref<4x!tpu.dma_semaphore, #tpu.memory_space<semaphore_mem>> -> memref<1x!tpu.dma_semaphore, #tpu.memory_space<semaphore_mem>>
    %dma_start3A_70 = tpu.memref_squeeze %dma_start3A_69 : memref<1x!tpu.dma_semaphore, #tpu.memory_space<semaphore_mem>> -> memref<!tpu.dma_semaphore, #tpu.memory_space<semaphore_mem>>
    tpu.enqueue_indirect_dma source(%dma_start3A_68 : memref<1000000x64xf32, #tpu.memory_space<hbm>>) target(%dma_start3A_62 : memref<72x64xf32, #tpu.memory_space<vmem>>) offsets(%dma_start3A_65 : memref<72xi32, #tpu.memory_space<vmem>>) semaphore(%dma_start3A_70 : memref<!tpu.dma_semaphore, #tpu.memory_space<semaphore_mem>>)
    %add3A_71 = arith.constant 2 : i32
    %add3A_72 = arith.addi %mul3A_2, %add3A_71 : i32
    %mul3A_73 = arith.constant 200 : i32
    %mul3A_74 = arith.muli %add3A_72, %mul3A_73 : i32
    %run_scoped3A_75 = arith.constant 2 : i32
    "tpu.region"() ({
      %run_scoped3A_133 = tpu.sem_alloc : memref<!tpu.dma_semaphore, #tpu.memory_space<semaphore_mem>>
      %dma_start3A_134 = arith.constant 0 : i32
      %dma_start3A_135 = tpu.memref_slice %arg5[%run_scoped3A_75, %dma_start3A_134] : memref<4x200xi32, #tpu.memory_space<vmem>> -> memref<1x200xi32, #tpu.memory_space<vmem>>
      %dma_start3A_136 = tpu.memref_squeeze %dma_start3A_135 : memref<1x200xi32, #tpu.memory_space<vmem>> -> memref<200xi32, #tpu.memory_space<vmem>>
      %dma_start3A_137 = tpu.memref_slice %arg3[%mul3A_74] : memref<819200xi32, #tpu.memory_space<hbm>> -> memref<200xi32, #tpu.memory_space<hbm>>
      %dma_start3A_138 = arith.constant 0 : i32
      %dma_start3A_139 = tpu.memref_slice %arg5[%run_scoped3A_75, %dma_start3A_138] : memref<4x200xi32, #tpu.memory_space<vmem>> -> memref<1x200xi32, #tpu.memory_space<vmem>>
      %dma_start3A_140 = tpu.memref_squeeze %dma_start3A_139 : memref<1x200xi32, #tpu.memory_space<vmem>> -> memref<200xi32, #tpu.memory_space<vmem>>
      %dma_start3A_141 = tpu.memref_slice %arg3[%mul3A_74] : memref<819200xi32, #tpu.memory_space<hbm>> -> memref<200xi32, #tpu.memory_space<hbm>>
      tpu.enqueue_dma source(%dma_start3A_141 : memref<200xi32, #tpu.memory_space<hbm>>) target(%dma_start3A_140 : memref<200xi32, #tpu.memory_space<vmem>>) target_semaphore(%run_scoped3A_133 : memref<!tpu.dma_semaphore, #tpu.memory_space<semaphore_mem>>)
      %dma_wait3A_142 = arith.constant 0 : i32
      %dma_wait3A_143 = tpu.memref_slice %arg5[%run_scoped3A_75, %dma_wait3A_142] : memref<4x200xi32, #tpu.memory_space<vmem>> -> memref<1x200xi32, #tpu.memory_space<vmem>>
      %dma_wait3A_144 = tpu.memref_squeeze %dma_wait3A_143 : memref<1x200xi32, #tpu.memory_space<vmem>> -> memref<200xi32, #tpu.memory_space<vmem>>
      %dma_wait3A_145 = tpu.memref_slice %arg3[%mul3A_74] : memref<819200xi32, #tpu.memory_space<hbm>> -> memref<200xi32, #tpu.memory_space<hbm>>
      %dma_wait3A_146 = arith.constant 0 : i32
      %dma_wait3A_147 = tpu.memref_slice %arg5[%run_scoped3A_75, %dma_wait3A_146] : memref<4x200xi32, #tpu.memory_space<vmem>> -> memref<1x200xi32, #tpu.memory_space<vmem>>
      %dma_wait3A_148 = tpu.memref_squeeze %dma_wait3A_147 : memref<1x200xi32, #tpu.memory_space<vmem>> -> memref<200xi32, #tpu.memory_space<vmem>>
      %dma_wait3A_149 = tpu.memref_slice %arg3[%mul3A_74] : memref<819200xi32, #tpu.memory_space<hbm>> -> memref<200xi32, #tpu.memory_space<hbm>>
      tpu.wait_dma2 semaphore(%run_scoped3A_133 : memref<!tpu.dma_semaphore, #tpu.memory_space<semaphore_mem>>) src(%dma_wait3A_149 : memref<200xi32, #tpu.memory_space<hbm>>) dst(%dma_wait3A_148 : memref<200xi32, #tpu.memory_space<vmem>>)
      tpu.yield
    }) : () -> ()
    %dma_start3A_76 = arith.constant 2 : i32
    %dma_start3A_77 = arith.constant 2 : i32
    %dma_start3A_78 = arith.constant 2 : i32
    %dma_start3A_79 = arith.constant 0 : i32
    %dma_start3A_80 = arith.constant 0 : i32
    %dma_start3A_81 = tpu.memref_slice %arg6[%dma_start3A_77, %dma_start3A_79, %dma_start3A_80] : memref<4x200x64xf32, #tpu.memory_space<vmem>> -> memref<1x128x64xf32, #tpu.memory_space<vmem>>
    %dma_start3A_82 = tpu.memref_squeeze %dma_start3A_81 : memref<1x128x64xf32, #tpu.memory_space<vmem>> -> memref<128x64xf32, #tpu.memory_space<vmem>>
    %dma_start3A_83 = arith.constant 0 : i32
    %dma_start3A_84 = tpu.memref_slice %arg5[%dma_start3A_76, %dma_start3A_83] : memref<4x200xi32, #tpu.memory_space<vmem>> -> memref<1x128xi32, #tpu.memory_space<vmem>>
    %dma_start3A_85 = tpu.memref_squeeze %dma_start3A_84 : memref<1x128xi32, #tpu.memory_space<vmem>> -> memref<128xi32, #tpu.memory_space<vmem>>
    %dma_start3A_86 = arith.constant 0 : i32
    %dma_start3A_87 = arith.constant 0 : i32
    %dma_start3A_88 = tpu.memref_slice %arg2[%dma_start3A_86, %dma_start3A_87] : memref<1000000x64xf32, #tpu.memory_space<hbm>> -> memref<1000000x64xf32, #tpu.memory_space<hbm>>
    %dma_start3A_89 = tpu.memref_slice %arg7[%dma_start3A_78] : memref<4x!tpu.dma_semaphore, #tpu.memory_space<semaphore_mem>> -> memref<1x!tpu.dma_semaphore, #tpu.memory_space<semaphore_mem>>
    %dma_start3A_90 = tpu.memref_squeeze %dma_start3A_89 : memref<1x!tpu.dma_semaphore, #tpu.memory_space<semaphore_mem>> -> memref<!tpu.dma_semaphore, #tpu.memory_space<semaphore_mem>>
    tpu.enqueue_indirect_dma source(%dma_start3A_88 : memref<1000000x64xf32, #tpu.memory_space<hbm>>) target(%dma_start3A_82 : memref<128x64xf32, #tpu.memory_space<vmem>>) offsets(%dma_start3A_85 : memref<128xi32, #tpu.memory_space<vmem>>) semaphore(%dma_start3A_90 : memref<!tpu.dma_semaphore, #tpu.memory_space<semaphore_mem>>)
    %dma_start3A_91 = arith.constant 2 : i32
    %dma_start3A_92 = arith.constant 2 : i32
    %dma_start3A_93 = arith.constant 2 : i32
    %dma_start3A_94 = arith.constant 128 : i32
    %dma_start3A_95 = arith.constant 0 : i32
    %dma_start3A_96 = tpu.memref_slice %arg6[%dma_start3A_92, %dma_start3A_94, %dma_start3A_95] : memref<4x200x64xf32, #tpu.memory_space<vmem>> -> memref<1x72x64xf32, #tpu.memory_space<vmem>>
    %dma_start3A_97 = tpu.memref_squeeze %dma_start3A_96 : memref<1x72x64xf32, #tpu.memory_space<vmem>> -> memref<72x64xf32, #tpu.memory_space<vmem>>
    %dma_start3A_98 = arith.constant 128 : i32
    %dma_start3A_99 = tpu.memref_slice %arg5[%dma_start3A_91, %dma_start3A_98] : memref<4x200xi32, #tpu.memory_space<vmem>> -> memref<1x72xi32, #tpu.memory_space<vmem>>
    %dma_start3A_100 = tpu.memref_squeeze %dma_start3A_99 : memref<1x72xi32, #tpu.memory_space<vmem>> -> memref<72xi32, #tpu.memory_space<vmem>>
    %dma_start3A_101 = arith.constant 0 : i32
    %dma_start3A_102 = arith.constant 0 : i32
    %dma_start3A_103 = tpu.memref_slice %arg2[%dma_start3A_101, %dma_start3A_102] : memref<1000000x64xf32, #tpu.memory_space<hbm>> -> memref<1000000x64xf32, #tpu.memory_space<hbm>>
    %dma_start3A_104 = tpu.memref_slice %arg7[%dma_start3A_93] : memref<4x!tpu.dma_semaphore, #tpu.memory_space<semaphore_mem>> -> memref<1x!tpu.dma_semaphore, #tpu.memory_space<semaphore_mem>>
    %dma_start3A_105 = tpu.memref_squeeze %dma_start3A_104 : memref<1x!tpu.dma_semaphore, #tpu.memory_space<semaphore_mem>> -> memref<!tpu.dma_semaphore, #tpu.memory_space<semaphore_mem>>
    tpu.enqueue_indirect_dma source(%dma_start3A_103 : memref<1000000x64xf32, #tpu.memory_space<hbm>>) target(%dma_start3A_97 : memref<72x64xf32, #tpu.memory_space<vmem>>) offsets(%dma_start3A_100 : memref<72xi32, #tpu.memory_space<vmem>>) semaphore(%dma_start3A_105 : memref<!tpu.dma_semaphore, #tpu.memory_space<semaphore_mem>>)
    %scan3A = arith.constant 0 : i32
    %scan3A_106 = arith.constant 0 : i32
    %scan3A_107 = arith.constant 32 : i32
    %scan3A_108 = arith.addi %scan3A_106, %scan3A_107 : i32
    %scan3A_109 = arith.constant 1 : i32
    %scan3A_110 = scf.for %scan3A_133 = %scan3A_106 to %scan3A_108 step %scan3A_109 iter_args(%scan3A_134 = %scan3A) -> (i32)  : i32 {
      %mul3A_135 = arith.constant 4 : i32
      %mul3A_136 = arith.muli %scan3A_133, %mul3A_135 : i32
      %add3A_137 = arith.constant 0 : i32
      %add3A_138 = arith.addi %mul3A_136, %add3A_137 : i32
      %dma_wait3A_139 = arith.constant 0 : i32
      %dma_wait3A_140 = arith.constant 0 : i32
      %dma_wait3A_141 = arith.constant 0 : i32
      %dma_wait3A_142 = arith.constant 0 : i32
      %dma_wait3A_143 = arith.constant 0 : i32
      %dma_wait3A_144 = tpu.memref_slice %arg6[%dma_wait3A_140, %dma_wait3A_142, %dma_wait3A_143] : memref<4x200x64xf32, #tpu.memory_space<vmem>> -> memref<1x128x64xf32, #tpu.memory_space<vmem>>
      %dma_wait3A_145 = tpu.memref_squeeze %dma_wait3A_144 : memref<1x128x64xf32, #tpu.memory_space<vmem>> -> memref<128x64xf32, #tpu.memory_space<vmem>>
      %dma_wait3A_146 = arith.constant 0 : i32
      %dma_wait3A_147 = tpu.memref_slice %arg5[%dma_wait3A_139, %dma_wait3A_146] : memref<4x200xi32, #tpu.memory_space<vmem>> -> memref<1x128xi32, #tpu.memory_space<vmem>>
      %dma_wait3A_148 = tpu.memref_squeeze %dma_wait3A_147 : memref<1x128xi32, #tpu.memory_space<vmem>> -> memref<128xi32, #tpu.memory_space<vmem>>
      %dma_wait3A_149 = arith.constant 0 : i32
      %dma_wait3A_150 = arith.constant 0 : i32
      %dma_wait3A_151 = tpu.memref_slice %arg2[%dma_wait3A_149, %dma_wait3A_150] : memref<1000000x64xf32, #tpu.memory_space<hbm>> -> memref<1000000x64xf32, #tpu.memory_space<hbm>>
      %dma_wait3A_152 = tpu.memref_slice %arg7[%dma_wait3A_141] : memref<4x!tpu.dma_semaphore, #tpu.memory_space<semaphore_mem>> -> memref<1x!tpu.dma_semaphore, #tpu.memory_space<semaphore_mem>>
      %dma_wait3A_153 = tpu.memref_squeeze %dma_wait3A_152 : memref<1x!tpu.dma_semaphore, #tpu.memory_space<semaphore_mem>> -> memref<!tpu.dma_semaphore, #tpu.memory_space<semaphore_mem>>
      tpu.wait_indirect_dma semaphore(%dma_wait3A_153 : memref<!tpu.dma_semaphore, #tpu.memory_space<semaphore_mem>>) src(%dma_wait3A_151 : memref<1000000x64xf32, #tpu.memory_space<hbm>>) dst(%dma_wait3A_145 : memref<128x64xf32, #tpu.memory_space<vmem>>)
      %dma_wait3A_154 = arith.constant 0 : i32
      %dma_wait3A_155 = arith.constant 0 : i32
      %dma_wait3A_156 = arith.constant 0 : i32
      %dma_wait3A_157 = arith.constant 128 : i32
      %dma_wait3A_158 = arith.constant 0 : i32
      %dma_wait3A_159 = tpu.memref_slice %arg6[%dma_wait3A_155, %dma_wait3A_157, %dma_wait3A_158] : memref<4x200x64xf32, #tpu.memory_space<vmem>> -> memref<1x72x64xf32, #tpu.memory_space<vmem>>
      %dma_wait3A_160 = tpu.memref_squeeze %dma_wait3A_159 : memref<1x72x64xf32, #tpu.memory_space<vmem>> -> memref<72x64xf32, #tpu.memory_space<vmem>>
      %dma_wait3A_161 = arith.constant 128 : i32
      %dma_wait3A_162 = tpu.memref_slice %arg5[%dma_wait3A_154, %dma_wait3A_161] : memref<4x200xi32, #tpu.memory_space<vmem>> -> memref<1x72xi32, #tpu.memory_space<vmem>>
      %dma_wait3A_163 = tpu.memref_squeeze %dma_wait3A_162 : memref<1x72xi32, #tpu.memory_space<vmem>> -> memref<72xi32, #tpu.memory_space<vmem>>
      %dma_wait3A_164 = arith.constant 0 : i32
      %dma_wait3A_165 = arith.constant 0 : i32
      %dma_wait3A_166 = tpu.memref_slice %arg2[%dma_wait3A_164, %dma_wait3A_165] : memref<1000000x64xf32, #tpu.memory_space<hbm>> -> memref<1000000x64xf32, #tpu.memory_space<hbm>>
      %dma_wait3A_167 = tpu.memref_slice %arg7[%dma_wait3A_156] : memref<4x!tpu.dma_semaphore, #tpu.memory_space<semaphore_mem>> -> memref<1x!tpu.dma_semaphore, #tpu.memory_space<semaphore_mem>>
      %dma_wait3A_168 = tpu.memref_squeeze %dma_wait3A_167 : memref<1x!tpu.dma_semaphore, #tpu.memory_space<semaphore_mem>> -> memref<!tpu.dma_semaphore, #tpu.memory_space<semaphore_mem>>
      tpu.wait_indirect_dma semaphore(%dma_wait3A_168 : memref<!tpu.dma_semaphore, #tpu.memory_space<semaphore_mem>>) src(%dma_wait3A_166 : memref<1000000x64xf32, #tpu.memory_space<hbm>>) dst(%dma_wait3A_160 : memref<72x64xf32, #tpu.memory_space<vmem>>)
      %add3A_169 = arith.addi %mul3A_2, %add3A_138 : i32
      %dma_start3A_170 = arith.constant 0 : i32
      %dma_start3A_171 = arith.constant 0 : i32
      %dma_start3A_172 = arith.constant 0 : i32
      %dma_start3A_173 = arith.constant 0 : i32
      %dma_start3A_174 = tpu.memref_slice %arg6[%dma_start3A_170, %dma_start3A_172, %dma_start3A_173] : memref<4x200x64xf32, #tpu.memory_space<vmem>> -> memref<1x200x64xf32, #tpu.memory_space<vmem>>
      %dma_start3A_175 = tpu.memref_squeeze %dma_start3A_174 : memref<1x200x64xf32, #tpu.memory_space<vmem>> -> memref<200x64xf32, #tpu.memory_space<vmem>>
      %dma_start3A_176 = arith.constant 0 : i32
      %dma_start3A_177 = arith.constant 0 : i32
      %dma_start3A_178 = tpu.memref_slice %arg4[%add3A_169, %dma_start3A_176, %dma_start3A_177] : memref<4096x200x128xf32, #tpu.memory_space<hbm>> -> memref<1x200x64xf32, #tpu.memory_space<hbm>>
      %dma_start3A_179 = tpu.memref_squeeze %dma_start3A_178 : memref<1x200x64xf32, #tpu.memory_space<hbm>> -> memref<200x64xf32, #tpu.memory_space<hbm>>
      %dma_start3A_180 = tpu.memref_slice %arg8[%dma_start3A_171] : memref<4x!tpu.dma_semaphore, #tpu.memory_space<semaphore_mem>> -> memref<1x!tpu.dma_semaphore, #tpu.memory_space<semaphore_mem>>
      %dma_start3A_181 = tpu.memref_squeeze %dma_start3A_180 : memref<1x!tpu.dma_semaphore, #tpu.memory_space<semaphore_mem>> -> memref<!tpu.dma_semaphore, #tpu.memory_space<semaphore_mem>>
      %dma_start3A_182 = arith.constant 0 : i32
      %dma_start3A_183 = arith.constant 0 : i32
      %dma_start3A_184 = tpu.memref_slice %arg4[%add3A_169, %dma_start3A_182, %dma_start3A_183] : memref<4096x200x128xf32, #tpu.memory_space<hbm>> -> memref<1x200x64xf32, #tpu.memory_space<hbm>>
      %dma_start3A_185 = tpu.memref_squeeze %dma_start3A_184 : memref<1x200x64xf32, #tpu.memory_space<hbm>> -> memref<200x64xf32, #tpu.memory_space<hbm>>
      %dma_start3A_186 = arith.constant 0 : i32
      %dma_start3A_187 = arith.constant 0 : i32
      %dma_start3A_188 = tpu.memref_slice %arg6[%dma_start3A_170, %dma_start3A_186, %dma_start3A_187] : memref<4x200x64xf32, #tpu.memory_space<vmem>> -> memref<1x200x64xf32, #tpu.memory_space<vmem>>
      %dma_start3A_189 = tpu.memref_squeeze %dma_start3A_188 : memref<1x200x64xf32, #tpu.memory_space<vmem>> -> memref<200x64xf32, #tpu.memory_space<vmem>>
      tpu.enqueue_dma source(%dma_start3A_189 : memref<200x64xf32, #tpu.memory_space<vmem>>) target(%dma_start3A_185 : memref<200x64xf32, #tpu.memory_space<hbm>>) target_semaphore(%dma_start3A_181 : memref<!tpu.dma_semaphore, #tpu.memory_space<semaphore_mem>>)
      %ge3A = arith.constant 1 : i32
      %ge3A_190 = arith.cmpi sge, %add3A_138, %ge3A : i32
      %convert_element_type3A = arith.extui %ge3A_190 : i1 to i32
      %cond3A = arith.constant 0 : i32
      %cond3A_191 = arith.cmpi ne, %convert_element_type3A, %cond3A : i32
      scf.if %cond3A_191 {
        %sub3A = arith.constant 1 : i32
        %sub3A_400 = arith.subi %add3A_138, %sub3A : i32
        %add3A_401 = arith.addi %mul3A_2, %sub3A_400 : i32
        %dma_wait3A_402 = arith.constant 3 : i32
        %dma_wait3A_403 = arith.constant 3 : i32
        %dma_wait3A_404 = arith.constant 0 : i32
        %dma_wait3A_405 = arith.constant 0 : i32
        %dma_wait3A_406 = tpu.memref_slice %arg6[%dma_wait3A_402, %dma_wait3A_404, %dma_wait3A_405] : memref<4x200x64xf32, #tpu.memory_space<vmem>> -> memref<1x200x64xf32, #tpu.memory_space<vmem>>
        %dma_wait3A_407 = tpu.memref_squeeze %dma_wait3A_406 : memref<1x200x64xf32, #tpu.memory_space<vmem>> -> memref<200x64xf32, #tpu.memory_space<vmem>>
        %dma_wait3A_408 = arith.constant 0 : i32
        %dma_wait3A_409 = arith.constant 0 : i32
        %dma_wait3A_410 = tpu.memref_slice %arg4[%add3A_401, %dma_wait3A_408, %dma_wait3A_409] : memref<4096x200x128xf32, #tpu.memory_space<hbm>> -> memref<1x200x64xf32, #tpu.memory_space<hbm>>
        %dma_wait3A_411 = tpu.memref_squeeze %dma_wait3A_410 : memref<1x200x64xf32, #tpu.memory_space<hbm>> -> memref<200x64xf32, #tpu.memory_space<hbm>>
        %dma_wait3A_412 = tpu.memref_slice %arg8[%dma_wait3A_403] : memref<4x!tpu.dma_semaphore, #tpu.memory_space<semaphore_mem>> -> memref<1x!tpu.dma_semaphore, #tpu.memory_space<semaphore_mem>>
        %dma_wait3A_413 = tpu.memref_squeeze %dma_wait3A_412 : memref<1x!tpu.dma_semaphore, #tpu.memory_space<semaphore_mem>> -> memref<!tpu.dma_semaphore, #tpu.memory_space<semaphore_mem>>
        %dma_wait3A_414 = arith.constant 0 : i32
        %dma_wait3A_415 = arith.constant 0 : i32
        %dma_wait3A_416 = tpu.memref_slice %arg4[%add3A_401, %dma_wait3A_414, %dma_wait3A_415] : memref<4096x200x128xf32, #tpu.memory_space<hbm>> -> memref<1x200x64xf32, #tpu.memory_space<hbm>>
        %dma_wait3A_417 = tpu.memref_squeeze %dma_wait3A_416 : memref<1x200x64xf32, #tpu.memory_space<hbm>> -> memref<200x64xf32, #tpu.memory_space<hbm>>
        %dma_wait3A_418 = arith.constant 0 : i32
        %dma_wait3A_419 = arith.constant 0 : i32
        %dma_wait3A_420 = tpu.memref_slice %arg6[%dma_wait3A_402, %dma_wait3A_418, %dma_wait3A_419] : memref<4x200x64xf32, #tpu.memory_space<vmem>> -> memref<1x200x64xf32, #tpu.memory_space<vmem>>
        %dma_wait3A_421 = tpu.memref_squeeze %dma_wait3A_420 : memref<1x200x64xf32, #tpu.memory_space<vmem>> -> memref<200x64xf32, #tpu.memory_space<vmem>>
        tpu.wait_dma2 semaphore(%dma_wait3A_413 : memref<!tpu.dma_semaphore, #tpu.memory_space<semaphore_mem>>) src(%dma_wait3A_421 : memref<200x64xf32, #tpu.memory_space<vmem>>) dst(%dma_wait3A_417 : memref<200x64xf32, #tpu.memory_space<hbm>>)
      } else {
      }
      %add3A_192 = arith.constant 3 : i32
      %add3A_193 = arith.addi %add3A_138, %add3A_192 : i32
      %lt3A = arith.constant 128 : i32
      %lt3A_194 = arith.cmpi slt, %add3A_193, %lt3A : i32
      %convert_element_type3A_195 = arith.extui %lt3A_194 : i1 to i32
      %cond3A_196 = arith.constant 0 : i32
      %cond3A_197 = arith.cmpi ne, %convert_element_type3A_195, %cond3A_196 : i32
      scf.if %cond3A_197 {
        %add3A_400 = arith.constant 3 : i32
        %add3A_401 = arith.addi %add3A_138, %add3A_400 : i32
        %add3A_402 = arith.addi %mul3A_2, %add3A_401 : i32
        %mul3A_403 = arith.constant 200 : i32
        %mul3A_404 = arith.muli %add3A_402, %mul3A_403 : i32
        %run_scoped3A_405 = arith.constant 3 : i32
        "tpu.region"() ({
          %run_scoped3A_436 = tpu.sem_alloc : memref<!tpu.dma_semaphore, #tpu.memory_space<semaphore_mem>>
          %dma_start3A_437 = arith.constant 0 : i32
          %dma_start3A_438 = tpu.memref_slice %arg5[%run_scoped3A_405, %dma_start3A_437] : memref<4x200xi32, #tpu.memory_space<vmem>> -> memref<1x200xi32, #tpu.memory_space<vmem>>
          %dma_start3A_439 = tpu.memref_squeeze %dma_start3A_438 : memref<1x200xi32, #tpu.memory_space<vmem>> -> memref<200xi32, #tpu.memory_space<vmem>>
          %dma_start3A_440 = tpu.memref_slice %arg3[%mul3A_404] : memref<819200xi32, #tpu.memory_space<hbm>> -> memref<200xi32, #tpu.memory_space<hbm>>
          %dma_start3A_441 = arith.constant 0 : i32
          %dma_start3A_442 = tpu.memref_slice %arg5[%run_scoped3A_405, %dma_start3A_441] : memref<4x200xi32, #tpu.memory_space<vmem>> -> memref<1x200xi32, #tpu.memory_space<vmem>>
          %dma_start3A_443 = tpu.memref_squeeze %dma_start3A_442 : memref<1x200xi32, #tpu.memory_space<vmem>> -> memref<200xi32, #tpu.memory_space<vmem>>
          %dma_start3A_444 = tpu.memref_slice %arg3[%mul3A_404] : memref<819200xi32, #tpu.memory_space<hbm>> -> memref<200xi32, #tpu.memory_space<hbm>>
          tpu.enqueue_dma source(%dma_start3A_444 : memref<200xi32, #tpu.memory_space<hbm>>) target(%dma_start3A_443 : memref<200xi32, #tpu.memory_space<vmem>>) target_semaphore(%run_scoped3A_436 : memref<!tpu.dma_semaphore, #tpu.memory_space<semaphore_mem>>)
          %dma_wait3A_445 = arith.constant 0 : i32
          %dma_wait3A_446 = tpu.memref_slice %arg5[%run_scoped3A_405, %dma_wait3A_445] : memref<4x200xi32, #tpu.memory_space<vmem>> -> memref<1x200xi32, #tpu.memory_space<vmem>>
          %dma_wait3A_447 = tpu.memref_squeeze %dma_wait3A_446 : memref<1x200xi32, #tpu.memory_space<vmem>> -> memref<200xi32, #tpu.memory_space<vmem>>
          %dma_wait3A_448 = tpu.memref_slice %arg3[%mul3A_404] : memref<819200xi32, #tpu.memory_space<hbm>> -> memref<200xi32, #tpu.memory_space<hbm>>
          %dma_wait3A_449 = arith.constant 0 : i32
          %dma_wait3A_450 = tpu.memref_slice %arg5[%run_scoped3A_405, %dma_wait3A_449] : memref<4x200xi32, #tpu.memory_space<vmem>> -> memref<1x200xi32, #tpu.memory_space<vmem>>
          %dma_wait3A_451 = tpu.memref_squeeze %dma_wait3A_450 : memref<1x200xi32, #tpu.memory_space<vmem>> -> memref<200xi32, #tpu.memory_space<vmem>>
          %dma_wait3A_452 = tpu.memref_slice %arg3[%mul3A_404] : memref<819200xi32, #tpu.memory_space<hbm>> -> memref<200xi32, #tpu.memory_space<hbm>>
          tpu.wait_dma2 semaphore(%run_scoped3A_436 : memref<!tpu.dma_semaphore, #tpu.memory_space<semaphore_mem>>) src(%dma_wait3A_452 : memref<200xi32, #tpu.memory_space<hbm>>) dst(%dma_wait3A_451 : memref<200xi32, #tpu.memory_space<vmem>>)
          tpu.yield
        }) : () -> ()
        %dma_start3A_406 = arith.constant 3 : i32
        %dma_start3A_407 = arith.constant 3 : i32
        %dma_start3A_408 = arith.constant 3 : i32
        %dma_start3A_409 = arith.constant 0 : i32
        %dma_start3A_410 = arith.constant 0 : i32
        %dma_start3A_411 = tpu.memref_slice %arg6[%dma_start3A_407, %dma_start3A_409, %dma_start3A_410] : memref<4x200x64xf32, #tpu.memory_space<vmem>> -> memref<1x128x64xf32, #tpu.memory_space<vmem>>
        %dma_start3A_412 = tpu.memref_squeeze %dma_start3A_411 : memref<1x128x64xf32, #tpu.memory_space<vmem>> -> memref<128x64xf32, #tpu.memory_space<vmem>>
        %dma_start3A_413 = arith.constant 0 : i32
        %dma_start3A_414 = tpu.memref_slice %arg5[%dma_start3A_406, %dma_start3A_413] : memref<4x200xi32, #tpu.memory_space<vmem>> -> memref<1x128xi32, #tpu.memory_space<vmem>>
        %dma_start3A_415 = tpu.memref_squeeze %dma_start3A_414 : memref<1x128xi32, #tpu.memory_space<vmem>> -> memref<128xi32, #tpu.memory_space<vmem>>
        %dma_start3A_416 = arith.constant 0 : i32
        %dma_start3A_417 = arith.constant 0 : i32
        %dma_start3A_418 = tpu.memref_slice %arg2[%dma_start3A_416, %dma_start3A_417] : memref<1000000x64xf32, #tpu.memory_space<hbm>> -> memref<1000000x64xf32, #tpu.memory_space<hbm>>
        %dma_start3A_419 = tpu.memref_slice %arg7[%dma_start3A_408] : memref<4x!tpu.dma_semaphore, #tpu.memory_space<semaphore_mem>> -> memref<1x!tpu.dma_semaphore, #tpu.memory_space<semaphore_mem>>
        %dma_start3A_420 = tpu.memref_squeeze %dma_start3A_419 : memref<1x!tpu.dma_semaphore, #tpu.memory_space<semaphore_mem>> -> memref<!tpu.dma_semaphore, #tpu.memory_space<semaphore_mem>>
        tpu.enqueue_indirect_dma source(%dma_start3A_418 : memref<1000000x64xf32, #tpu.memory_space<hbm>>) target(%dma_start3A_412 : memref<128x64xf32, #tpu.memory_space<vmem>>) offsets(%dma_start3A_415 : memref<128xi32, #tpu.memory_space<vmem>>) semaphore(%dma_start3A_420 : memref<!tpu.dma_semaphore, #tpu.memory_space<semaphore_mem>>)
        %dma_start3A_421 = arith.constant 3 : i32
        %dma_start3A_422 = arith.constant 3 : i32
        %dma_start3A_423 = arith.constant 3 : i32
        %dma_start3A_424 = arith.constant 128 : i32
        %dma_start3A_425 = arith.constant 0 : i32
        %dma_start3A_426 = tpu.memref_slice %arg6[%dma_start3A_422, %dma_start3A_424, %dma_start3A_425] : memref<4x200x64xf32, #tpu.memory_space<vmem>> -> memref<1x72x64xf32, #tpu.memory_space<vmem>>
        %dma_start3A_427 = tpu.memref_squeeze %dma_start3A_426 : memref<1x72x64xf32, #tpu.memory_space<vmem>> -> memref<72x64xf32, #tpu.memory_space<vmem>>
        %dma_start3A_428 = arith.constant 128 : i32
        %dma_start3A_429 = tpu.memref_slice %arg5[%dma_start3A_421, %dma_start3A_428] : memref<4x200xi32, #tpu.memory_space<vmem>> -> memref<1x72xi32, #tpu.memory_space<vmem>>
        %dma_start3A_430 = tpu.memref_squeeze %dma_start3A_429 : memref<1x72xi32, #tpu.memory_space<vmem>> -> memref<72xi32, #tpu.memory_space<vmem>>
        %dma_start3A_431 = arith.constant 0 : i32
        %dma_start3A_432 = arith.constant 0 : i32
        %dma_start3A_433 = tpu.memref_slice %arg2[%dma_start3A_431, %dma_start3A_432] : memref<1000000x64xf32, #tpu.memory_space<hbm>> -> memref<1000000x64xf32, #tpu.memory_space<hbm>>
        %dma_start3A_434 = tpu.memref_slice %arg7[%dma_start3A_423] : memref<4x!tpu.dma_semaphore, #tpu.memory_space<semaphore_mem>> -> memref<1x!tpu.dma_semaphore, #tpu.memory_space<semaphore_mem>>
        %dma_start3A_435 = tpu.memref_squeeze %dma_start3A_434 : memref<1x!tpu.dma_semaphore, #tpu.memory_space<semaphore_mem>> -> memref<!tpu.dma_semaphore, #tpu.memory_space<semaphore_mem>>
        tpu.enqueue_indirect_dma source(%dma_start3A_433 : memref<1000000x64xf32, #tpu.memory_space<hbm>>) target(%dma_start3A_427 : memref<72x64xf32, #tpu.memory_space<vmem>>) offsets(%dma_start3A_430 : memref<72xi32, #tpu.memory_space<vmem>>) semaphore(%dma_start3A_435 : memref<!tpu.dma_semaphore, #tpu.memory_space<semaphore_mem>>)
      } else {
      }
      %mul3A_198 = arith.constant 4 : i32
      %mul3A_199 = arith.muli %scan3A_133, %mul3A_198 : i32
      %add3A_200 = arith.constant 1 : i32
      %add3A_201 = arith.addi %mul3A_199, %add3A_200 : i32
      %dma_wait3A_202 = arith.constant 1 : i32
      %dma_wait3A_203 = arith.constant 1 : i32
      %dma_wait3A_204 = arith.constant 1 : i32
      %dma_wait3A_205 = arith.constant 0 : i32
      %dma_wait3A_206 = arith.constant 0 : i32
      %dma_wait3A_207 = tpu.memref_slice %arg6[%dma_wait3A_203, %dma_wait3A_205, %dma_wait3A_206] : memref<4x200x64xf32, #tpu.memory_space<vmem>> -> memref<1x128x64xf32, #tpu.memory_space<vmem>>
      %dma_wait3A_208 = tpu.memref_squeeze %dma_wait3A_207 : memref<1x128x64xf32, #tpu.memory_space<vmem>> -> memref<128x64xf32, #tpu.memory_space<vmem>>
      %dma_wait3A_209 = arith.constant 0 : i32
      %dma_wait3A_210 = tpu.memref_slice %arg5[%dma_wait3A_202, %dma_wait3A_209] : memref<4x200xi32, #tpu.memory_space<vmem>> -> memref<1x128xi32, #tpu.memory_space<vmem>>
      %dma_wait3A_211 = tpu.memref_squeeze %dma_wait3A_210 : memref<1x128xi32, #tpu.memory_space<vmem>> -> memref<128xi32, #tpu.memory_space<vmem>>
      %dma_wait3A_212 = arith.constant 0 : i32
      %dma_wait3A_213 = arith.constant 0 : i32
      %dma_wait3A_214 = tpu.memref_slice %arg2[%dma_wait3A_212, %dma_wait3A_213] : memref<1000000x64xf32, #tpu.memory_space<hbm>> -> memref<1000000x64xf32, #tpu.memory_space<hbm>>
      %dma_wait3A_215 = tpu.memref_slice %arg7[%dma_wait3A_204] : memref<4x!tpu.dma_semaphore, #tpu.memory_space<semaphore_mem>> -> memref<1x!tpu.dma_semaphore, #tpu.memory_space<semaphore_mem>>
      %dma_wait3A_216 = tpu.memref_squeeze %dma_wait3A_215 : memref<1x!tpu.dma_semaphore, #tpu.memory_space<semaphore_mem>> -> memref<!tpu.dma_semaphore, #tpu.memory_space<semaphore_mem>>
      tpu.wait_indirect_dma semaphore(%dma_wait3A_216 : memref<!tpu.dma_semaphore, #tpu.memory_space<semaphore_mem>>) src(%dma_wait3A_214 : memref<1000000x64xf32, #tpu.memory_space<hbm>>) dst(%dma_wait3A_208 : memref<128x64xf32, #tpu.memory_space<vmem>>)
      %dma_wait3A_217 = arith.constant 1 : i32
      %dma_wait3A_218 = arith.constant 1 : i32
      %dma_wait3A_219 = arith.constant 1 : i32
      %dma_wait3A_220 = arith.constant 128 : i32
      %dma_wait3A_221 = arith.constant 0 : i32
      %dma_wait3A_222 = tpu.memref_slice %arg6[%dma_wait3A_218, %dma_wait3A_220, %dma_wait3A_221] : memref<4x200x64xf32, #tpu.memory_space<vmem>> -> memref<1x72x64xf32, #tpu.memory_space<vmem>>
      %dma_wait3A_223 = tpu.memref_squeeze %dma_wait3A_222 : memref<1x72x64xf32, #tpu.memory_space<vmem>> -> memref<72x64xf32, #tpu.memory_space<vmem>>
      %dma_wait3A_224 = arith.constant 128 : i32
      %dma_wait3A_225 = tpu.memref_slice %arg5[%dma_wait3A_217, %dma_wait3A_224] : memref<4x200xi32, #tpu.memory_space<vmem>> -> memref<1x72xi32, #tpu.memory_space<vmem>>
      %dma_wait3A_226 = tpu.memref_squeeze %dma_wait3A_225 : memref<1x72xi32, #tpu.memory_space<vmem>> -> memref<72xi32, #tpu.memory_space<vmem>>
      %dma_wait3A_227 = arith.constant 0 : i32
      %dma_wait3A_228 = arith.constant 0 : i32
      %dma_wait3A_229 = tpu.memref_slice %arg2[%dma_wait3A_227, %dma_wait3A_228] : memref<1000000x64xf32, #tpu.memory_space<hbm>> -> memref<1000000x64xf32, #tpu.memory_space<hbm>>
      %dma_wait3A_230 = tpu.memref_slice %arg7[%dma_wait3A_219] : memref<4x!tpu.dma_semaphore, #tpu.memory_space<semaphore_mem>> -> memref<1x!tpu.dma_semaphore, #tpu.memory_space<semaphore_mem>>
      %dma_wait3A_231 = tpu.memref_squeeze %dma_wait3A_230 : memref<1x!tpu.dma_semaphore, #tpu.memory_space<semaphore_mem>> -> memref<!tpu.dma_semaphore, #tpu.memory_space<semaphore_mem>>
      tpu.wait_indirect_dma semaphore(%dma_wait3A_231 : memref<!tpu.dma_semaphore, #tpu.memory_space<semaphore_mem>>) src(%dma_wait3A_229 : memref<1000000x64xf32, #tpu.memory_space<hbm>>) dst(%dma_wait3A_223 : memref<72x64xf32, #tpu.memory_space<vmem>>)
      %add3A_232 = arith.addi %mul3A_2, %add3A_201 : i32
      %dma_start3A_233 = arith.constant 1 : i32
      %dma_start3A_234 = arith.constant 1 : i32
      %dma_start3A_235 = arith.constant 0 : i32
      %dma_start3A_236 = arith.constant 0 : i32
      %dma_start3A_237 = tpu.memref_slice %arg6[%dma_start3A_233, %dma_start3A_235, %dma_start3A_236] : memref<4x200x64xf32, #tpu.memory_space<vmem>> -> memref<1x200x64xf32, #tpu.memory_space<vmem>>
      %dma_start3A_238 = tpu.memref_squeeze %dma_start3A_237 : memref<1x200x64xf32, #tpu.memory_space<vmem>> -> memref<200x64xf32, #tpu.memory_space<vmem>>
      %dma_start3A_239 = arith.constant 0 : i32
      %dma_start3A_240 = arith.constant 0 : i32
      %dma_start3A_241 = tpu.memref_slice %arg4[%add3A_232, %dma_start3A_239, %dma_start3A_240] : memref<4096x200x128xf32, #tpu.memory_space<hbm>> -> memref<1x200x64xf32, #tpu.memory_space<hbm>>
      %dma_start3A_242 = tpu.memref_squeeze %dma_start3A_241 : memref<1x200x64xf32, #tpu.memory_space<hbm>> -> memref<200x64xf32, #tpu.memory_space<hbm>>
      %dma_start3A_243 = tpu.memref_slice %arg8[%dma_start3A_234] : memref<4x!tpu.dma_semaphore, #tpu.memory_space<semaphore_mem>> -> memref<1x!tpu.dma_semaphore, #tpu.memory_space<semaphore_mem>>
      %dma_start3A_244 = tpu.memref_squeeze %dma_start3A_243 : memref<1x!tpu.dma_semaphore, #tpu.memory_space<semaphore_mem>> -> memref<!tpu.dma_semaphore, #tpu.memory_space<semaphore_mem>>
      %dma_start3A_245 = arith.constant 0 : i32
      %dma_start3A_246 = arith.constant 0 : i32
      %dma_start3A_247 = tpu.memref_slice %arg4[%add3A_232, %dma_start3A_245, %dma_start3A_246] : memref<4096x200x128xf32, #tpu.memory_space<hbm>> -> memref<1x200x64xf32, #tpu.memory_space<hbm>>
      %dma_start3A_248 = tpu.memref_squeeze %dma_start3A_247 : memref<1x200x64xf32, #tpu.memory_space<hbm>> -> memref<200x64xf32, #tpu.memory_space<hbm>>
      %dma_start3A_249 = arith.constant 0 : i32
      %dma_start3A_250 = arith.constant 0 : i32
      %dma_start3A_251 = tpu.memref_slice %arg6[%dma_start3A_233, %dma_start3A_249, %dma_start3A_250] : memref<4x200x64xf32, #tpu.memory_space<vmem>> -> memref<1x200x64xf32, #tpu.memory_space<vmem>>
      %dma_start3A_252 = tpu.memref_squeeze %dma_start3A_251 : memref<1x200x64xf32, #tpu.memory_space<vmem>> -> memref<200x64xf32, #tpu.memory_space<vmem>>
      tpu.enqueue_dma source(%dma_start3A_252 : memref<200x64xf32, #tpu.memory_space<vmem>>) target(%dma_start3A_248 : memref<200x64xf32, #tpu.memory_space<hbm>>) target_semaphore(%dma_start3A_244 : memref<!tpu.dma_semaphore, #tpu.memory_space<semaphore_mem>>)
      %ge3A_253 = arith.constant 1 : i32
      %ge3A_254 = arith.cmpi sge, %add3A_201, %ge3A_253 : i32
      %convert_element_type3A_255 = arith.extui %ge3A_254 : i1 to i32
      %cond3A_256 = arith.constant 0 : i32
      %cond3A_257 = arith.cmpi ne, %convert_element_type3A_255, %cond3A_256 : i32
      scf.if %cond3A_257 {
        %sub3A = arith.constant 1 : i32
        %sub3A_400 = arith.subi %add3A_201, %sub3A : i32
        %add3A_401 = arith.addi %mul3A_2, %sub3A_400 : i32
        %dma_wait3A_402 = arith.constant 0 : i32
        %dma_wait3A_403 = arith.constant 0 : i32
        %dma_wait3A_404 = arith.constant 0 : i32
        %dma_wait3A_405 = arith.constant 0 : i32
        %dma_wait3A_406 = tpu.memref_slice %arg6[%dma_wait3A_402, %dma_wait3A_404, %dma_wait3A_405] : memref<4x200x64xf32, #tpu.memory_space<vmem>> -> memref<1x200x64xf32, #tpu.memory_space<vmem>>
        %dma_wait3A_407 = tpu.memref_squeeze %dma_wait3A_406 : memref<1x200x64xf32, #tpu.memory_space<vmem>> -> memref<200x64xf32, #tpu.memory_space<vmem>>
        %dma_wait3A_408 = arith.constant 0 : i32
        %dma_wait3A_409 = arith.constant 0 : i32
        %dma_wait3A_410 = tpu.memref_slice %arg4[%add3A_401, %dma_wait3A_408, %dma_wait3A_409] : memref<4096x200x128xf32, #tpu.memory_space<hbm>> -> memref<1x200x64xf32, #tpu.memory_space<hbm>>
        %dma_wait3A_411 = tpu.memref_squeeze %dma_wait3A_410 : memref<1x200x64xf32, #tpu.memory_space<hbm>> -> memref<200x64xf32, #tpu.memory_space<hbm>>
        %dma_wait3A_412 = tpu.memref_slice %arg8[%dma_wait3A_403] : memref<4x!tpu.dma_semaphore, #tpu.memory_space<semaphore_mem>> -> memref<1x!tpu.dma_semaphore, #tpu.memory_space<semaphore_mem>>
        %dma_wait3A_413 = tpu.memref_squeeze %dma_wait3A_412 : memref<1x!tpu.dma_semaphore, #tpu.memory_space<semaphore_mem>> -> memref<!tpu.dma_semaphore, #tpu.memory_space<semaphore_mem>>
        %dma_wait3A_414 = arith.constant 0 : i32
        %dma_wait3A_415 = arith.constant 0 : i32
        %dma_wait3A_416 = tpu.memref_slice %arg4[%add3A_401, %dma_wait3A_414, %dma_wait3A_415] : memref<4096x200x128xf32, #tpu.memory_space<hbm>> -> memref<1x200x64xf32, #tpu.memory_space<hbm>>
        %dma_wait3A_417 = tpu.memref_squeeze %dma_wait3A_416 : memref<1x200x64xf32, #tpu.memory_space<hbm>> -> memref<200x64xf32, #tpu.memory_space<hbm>>
        %dma_wait3A_418 = arith.constant 0 : i32
        %dma_wait3A_419 = arith.constant 0 : i32
        %dma_wait3A_420 = tpu.memref_slice %arg6[%dma_wait3A_402, %dma_wait3A_418, %dma_wait3A_419] : memref<4x200x64xf32, #tpu.memory_space<vmem>> -> memref<1x200x64xf32, #tpu.memory_space<vmem>>
        %dma_wait3A_421 = tpu.memref_squeeze %dma_wait3A_420 : memref<1x200x64xf32, #tpu.memory_space<vmem>> -> memref<200x64xf32, #tpu.memory_space<vmem>>
        tpu.wait_dma2 semaphore(%dma_wait3A_413 : memref<!tpu.dma_semaphore, #tpu.memory_space<semaphore_mem>>) src(%dma_wait3A_421 : memref<200x64xf32, #tpu.memory_space<vmem>>) dst(%dma_wait3A_417 : memref<200x64xf32, #tpu.memory_space<hbm>>)
      } else {
      }
      %add3A_258 = arith.constant 3 : i32
      %add3A_259 = arith.addi %add3A_201, %add3A_258 : i32
      %lt3A_260 = arith.constant 128 : i32
      %lt3A_261 = arith.cmpi slt, %add3A_259, %lt3A_260 : i32
      %convert_element_type3A_262 = arith.extui %lt3A_261 : i1 to i32
      %cond3A_263 = arith.constant 0 : i32
      %cond3A_264 = arith.cmpi ne, %convert_element_type3A_262, %cond3A_263 : i32
      scf.if %cond3A_264 {
        %add3A_400 = arith.constant 3 : i32
        %add3A_401 = arith.addi %add3A_201, %add3A_400 : i32
        %add3A_402 = arith.addi %mul3A_2, %add3A_401 : i32
        %mul3A_403 = arith.constant 200 : i32
        %mul3A_404 = arith.muli %add3A_402, %mul3A_403 : i32
        %run_scoped3A_405 = arith.constant 0 : i32
        "tpu.region"() ({
          %run_scoped3A_436 = tpu.sem_alloc : memref<!tpu.dma_semaphore, #tpu.memory_space<semaphore_mem>>
          %dma_start3A_437 = arith.constant 0 : i32
          %dma_start3A_438 = tpu.memref_slice %arg5[%run_scoped3A_405, %dma_start3A_437] : memref<4x200xi32, #tpu.memory_space<vmem>> -> memref<1x200xi32, #tpu.memory_space<vmem>>
          %dma_start3A_439 = tpu.memref_squeeze %dma_start3A_438 : memref<1x200xi32, #tpu.memory_space<vmem>> -> memref<200xi32, #tpu.memory_space<vmem>>
          %dma_start3A_440 = tpu.memref_slice %arg3[%mul3A_404] : memref<819200xi32, #tpu.memory_space<hbm>> -> memref<200xi32, #tpu.memory_space<hbm>>
          %dma_start3A_441 = arith.constant 0 : i32
          %dma_start3A_442 = tpu.memref_slice %arg5[%run_scoped3A_405, %dma_start3A_441] : memref<4x200xi32, #tpu.memory_space<vmem>> -> memref<1x200xi32, #tpu.memory_space<vmem>>
          %dma_start3A_443 = tpu.memref_squeeze %dma_start3A_442 : memref<1x200xi32, #tpu.memory_space<vmem>> -> memref<200xi32, #tpu.memory_space<vmem>>
          %dma_start3A_444 = tpu.memref_slice %arg3[%mul3A_404] : memref<819200xi32, #tpu.memory_space<hbm>> -> memref<200xi32, #tpu.memory_space<hbm>>
          tpu.enqueue_dma source(%dma_start3A_444 : memref<200xi32, #tpu.memory_space<hbm>>) target(%dma_start3A_443 : memref<200xi32, #tpu.memory_space<vmem>>) target_semaphore(%run_scoped3A_436 : memref<!tpu.dma_semaphore, #tpu.memory_space<semaphore_mem>>)
          %dma_wait3A_445 = arith.constant 0 : i32
          %dma_wait3A_446 = tpu.memref_slice %arg5[%run_scoped3A_405, %dma_wait3A_445] : memref<4x200xi32, #tpu.memory_space<vmem>> -> memref<1x200xi32, #tpu.memory_space<vmem>>
          %dma_wait3A_447 = tpu.memref_squeeze %dma_wait3A_446 : memref<1x200xi32, #tpu.memory_space<vmem>> -> memref<200xi32, #tpu.memory_space<vmem>>
          %dma_wait3A_448 = tpu.memref_slice %arg3[%mul3A_404] : memref<819200xi32, #tpu.memory_space<hbm>> -> memref<200xi32, #tpu.memory_space<hbm>>
          %dma_wait3A_449 = arith.constant 0 : i32
          %dma_wait3A_450 = tpu.memref_slice %arg5[%run_scoped3A_405, %dma_wait3A_449] : memref<4x200xi32, #tpu.memory_space<vmem>> -> memref<1x200xi32, #tpu.memory_space<vmem>>
          %dma_wait3A_451 = tpu.memref_squeeze %dma_wait3A_450 : memref<1x200xi32, #tpu.memory_space<vmem>> -> memref<200xi32, #tpu.memory_space<vmem>>
          %dma_wait3A_452 = tpu.memref_slice %arg3[%mul3A_404] : memref<819200xi32, #tpu.memory_space<hbm>> -> memref<200xi32, #tpu.memory_space<hbm>>
          tpu.wait_dma2 semaphore(%run_scoped3A_436 : memref<!tpu.dma_semaphore, #tpu.memory_space<semaphore_mem>>) src(%dma_wait3A_452 : memref<200xi32, #tpu.memory_space<hbm>>) dst(%dma_wait3A_451 : memref<200xi32, #tpu.memory_space<vmem>>)
          tpu.yield
        }) : () -> ()
        %dma_start3A_406 = arith.constant 0 : i32
        %dma_start3A_407 = arith.constant 0 : i32
        %dma_start3A_408 = arith.constant 0 : i32
        %dma_start3A_409 = arith.constant 0 : i32
        %dma_start3A_410 = arith.constant 0 : i32
        %dma_start3A_411 = tpu.memref_slice %arg6[%dma_start3A_407, %dma_start3A_409, %dma_start3A_410] : memref<4x200x64xf32, #tpu.memory_space<vmem>> -> memref<1x128x64xf32, #tpu.memory_space<vmem>>
        %dma_start3A_412 = tpu.memref_squeeze %dma_start3A_411 : memref<1x128x64xf32, #tpu.memory_space<vmem>> -> memref<128x64xf32, #tpu.memory_space<vmem>>
        %dma_start3A_413 = arith.constant 0 : i32
        %dma_start3A_414 = tpu.memref_slice %arg5[%dma_start3A_406, %dma_start3A_413] : memref<4x200xi32, #tpu.memory_space<vmem>> -> memref<1x128xi32, #tpu.memory_space<vmem>>
        %dma_start3A_415 = tpu.memref_squeeze %dma_start3A_414 : memref<1x128xi32, #tpu.memory_space<vmem>> -> memref<128xi32, #tpu.memory_space<vmem>>
        %dma_start3A_416 = arith.constant 0 : i32
        %dma_start3A_417 = arith.constant 0 : i32
        %dma_start3A_418 = tpu.memref_slice %arg2[%dma_start3A_416, %dma_start3A_417] : memref<1000000x64xf32, #tpu.memory_space<hbm>> -> memref<1000000x64xf32, #tpu.memory_space<hbm>>
        %dma_start3A_419 = tpu.memref_slice %arg7[%dma_start3A_408] : memref<4x!tpu.dma_semaphore, #tpu.memory_space<semaphore_mem>> -> memref<1x!tpu.dma_semaphore, #tpu.memory_space<semaphore_mem>>
        %dma_start3A_420 = tpu.memref_squeeze %dma_start3A_419 : memref<1x!tpu.dma_semaphore, #tpu.memory_space<semaphore_mem>> -> memref<!tpu.dma_semaphore, #tpu.memory_space<semaphore_mem>>
        tpu.enqueue_indirect_dma source(%dma_start3A_418 : memref<1000000x64xf32, #tpu.memory_space<hbm>>) target(%dma_start3A_412 : memref<128x64xf32, #tpu.memory_space<vmem>>) offsets(%dma_start3A_415 : memref<128xi32, #tpu.memory_space<vmem>>) semaphore(%dma_start3A_420 : memref<!tpu.dma_semaphore, #tpu.memory_space<semaphore_mem>>)
        %dma_start3A_421 = arith.constant 0 : i32
        %dma_start3A_422 = arith.constant 0 : i32
        %dma_start3A_423 = arith.constant 0 : i32
        %dma_start3A_424 = arith.constant 128 : i32
        %dma_start3A_425 = arith.constant 0 : i32
        %dma_start3A_426 = tpu.memref_slice %arg6[%dma_start3A_422, %dma_start3A_424, %dma_start3A_425] : memref<4x200x64xf32, #tpu.memory_space<vmem>> -> memref<1x72x64xf32, #tpu.memory_space<vmem>>
        %dma_start3A_427 = tpu.memref_squeeze %dma_start3A_426 : memref<1x72x64xf32, #tpu.memory_space<vmem>> -> memref<72x64xf32, #tpu.memory_space<vmem>>
        %dma_start3A_428 = arith.constant 128 : i32
        %dma_start3A_429 = tpu.memref_slice %arg5[%dma_start3A_421, %dma_start3A_428] : memref<4x200xi32, #tpu.memory_space<vmem>> -> memref<1x72xi32, #tpu.memory_space<vmem>>
        %dma_start3A_430 = tpu.memref_squeeze %dma_start3A_429 : memref<1x72xi32, #tpu.memory_space<vmem>> -> memref<72xi32, #tpu.memory_space<vmem>>
        %dma_start3A_431 = arith.constant 0 : i32
        %dma_start3A_432 = arith.constant 0 : i32
        %dma_start3A_433 = tpu.memref_slice %arg2[%dma_start3A_431, %dma_start3A_432] : memref<1000000x64xf32, #tpu.memory_space<hbm>> -> memref<1000000x64xf32, #tpu.memory_space<hbm>>
        %dma_start3A_434 = tpu.memref_slice %arg7[%dma_start3A_423] : memref<4x!tpu.dma_semaphore, #tpu.memory_space<semaphore_mem>> -> memref<1x!tpu.dma_semaphore, #tpu.memory_space<semaphore_mem>>
        %dma_start3A_435 = tpu.memref_squeeze %dma_start3A_434 : memref<1x!tpu.dma_semaphore, #tpu.memory_space<semaphore_mem>> -> memref<!tpu.dma_semaphore, #tpu.memory_space<semaphore_mem>>
        tpu.enqueue_indirect_dma source(%dma_start3A_433 : memref<1000000x64xf32, #tpu.memory_space<hbm>>) target(%dma_start3A_427 : memref<72x64xf32, #tpu.memory_space<vmem>>) offsets(%dma_start3A_430 : memref<72xi32, #tpu.memory_space<vmem>>) semaphore(%dma_start3A_435 : memref<!tpu.dma_semaphore, #tpu.memory_space<semaphore_mem>>)
      } else {
      }
      %mul3A_265 = arith.constant 4 : i32
      %mul3A_266 = arith.muli %scan3A_133, %mul3A_265 : i32
      %add3A_267 = arith.constant 2 : i32
      %add3A_268 = arith.addi %mul3A_266, %add3A_267 : i32
      %dma_wait3A_269 = arith.constant 2 : i32
      %dma_wait3A_270 = arith.constant 2 : i32
      %dma_wait3A_271 = arith.constant 2 : i32
      %dma_wait3A_272 = arith.constant 0 : i32
      %dma_wait3A_273 = arith.constant 0 : i32
      %dma_wait3A_274 = tpu.memref_slice %arg6[%dma_wait3A_270, %dma_wait3A_272, %dma_wait3A_273] : memref<4x200x64xf32, #tpu.memory_space<vmem>> -> memref<1x128x64xf32, #tpu.memory_space<vmem>>
      %dma_wait3A_275 = tpu.memref_squeeze %dma_wait3A_274 : memref<1x128x64xf32, #tpu.memory_space<vmem>> -> memref<128x64xf32, #tpu.memory_space<vmem>>
      %dma_wait3A_276 = arith.constant 0 : i32
      %dma_wait3A_277 = tpu.memref_slice %arg5[%dma_wait3A_269, %dma_wait3A_276] : memref<4x200xi32, #tpu.memory_space<vmem>> -> memref<1x128xi32, #tpu.memory_space<vmem>>
      %dma_wait3A_278 = tpu.memref_squeeze %dma_wait3A_277 : memref<1x128xi32, #tpu.memory_space<vmem>> -> memref<128xi32, #tpu.memory_space<vmem>>
      %dma_wait3A_279 = arith.constant 0 : i32
      %dma_wait3A_280 = arith.constant 0 : i32
      %dma_wait3A_281 = tpu.memref_slice %arg2[%dma_wait3A_279, %dma_wait3A_280] : memref<1000000x64xf32, #tpu.memory_space<hbm>> -> memref<1000000x64xf32, #tpu.memory_space<hbm>>
      %dma_wait3A_282 = tpu.memref_slice %arg7[%dma_wait3A_271] : memref<4x!tpu.dma_semaphore, #tpu.memory_space<semaphore_mem>> -> memref<1x!tpu.dma_semaphore, #tpu.memory_space<semaphore_mem>>
      %dma_wait3A_283 = tpu.memref_squeeze %dma_wait3A_282 : memref<1x!tpu.dma_semaphore, #tpu.memory_space<semaphore_mem>> -> memref<!tpu.dma_semaphore, #tpu.memory_space<semaphore_mem>>
      tpu.wait_indirect_dma semaphore(%dma_wait3A_283 : memref<!tpu.dma_semaphore, #tpu.memory_space<semaphore_mem>>) src(%dma_wait3A_281 : memref<1000000x64xf32, #tpu.memory_space<hbm>>) dst(%dma_wait3A_275 : memref<128x64xf32, #tpu.memory_space<vmem>>)
      %dma_wait3A_284 = arith.constant 2 : i32
      %dma_wait3A_285 = arith.constant 2 : i32
      %dma_wait3A_286 = arith.constant 2 : i32
      %dma_wait3A_287 = arith.constant 128 : i32
      %dma_wait3A_288 = arith.constant 0 : i32
      %dma_wait3A_289 = tpu.memref_slice %arg6[%dma_wait3A_285, %dma_wait3A_287, %dma_wait3A_288] : memref<4x200x64xf32, #tpu.memory_space<vmem>> -> memref<1x72x64xf32, #tpu.memory_space<vmem>>
      %dma_wait3A_290 = tpu.memref_squeeze %dma_wait3A_289 : memref<1x72x64xf32, #tpu.memory_space<vmem>> -> memref<72x64xf32, #tpu.memory_space<vmem>>
      %dma_wait3A_291 = arith.constant 128 : i32
      %dma_wait3A_292 = tpu.memref_slice %arg5[%dma_wait3A_284, %dma_wait3A_291] : memref<4x200xi32, #tpu.memory_space<vmem>> -> memref<1x72xi32, #tpu.memory_space<vmem>>
      %dma_wait3A_293 = tpu.memref_squeeze %dma_wait3A_292 : memref<1x72xi32, #tpu.memory_space<vmem>> -> memref<72xi32, #tpu.memory_space<vmem>>
      %dma_wait3A_294 = arith.constant 0 : i32
      %dma_wait3A_295 = arith.constant 0 : i32
      %dma_wait3A_296 = tpu.memref_slice %arg2[%dma_wait3A_294, %dma_wait3A_295] : memref<1000000x64xf32, #tpu.memory_space<hbm>> -> memref<1000000x64xf32, #tpu.memory_space<hbm>>
      %dma_wait3A_297 = tpu.memref_slice %arg7[%dma_wait3A_286] : memref<4x!tpu.dma_semaphore, #tpu.memory_space<semaphore_mem>> -> memref<1x!tpu.dma_semaphore, #tpu.memory_space<semaphore_mem>>
      %dma_wait3A_298 = tpu.memref_squeeze %dma_wait3A_297 : memref<1x!tpu.dma_semaphore, #tpu.memory_space<semaphore_mem>> -> memref<!tpu.dma_semaphore, #tpu.memory_space<semaphore_mem>>
      tpu.wait_indirect_dma semaphore(%dma_wait3A_298 : memref<!tpu.dma_semaphore, #tpu.memory_space<semaphore_mem>>) src(%dma_wait3A_296 : memref<1000000x64xf32, #tpu.memory_space<hbm>>) dst(%dma_wait3A_290 : memref<72x64xf32, #tpu.memory_space<vmem>>)
      %add3A_299 = arith.addi %mul3A_2, %add3A_268 : i32
      %dma_start3A_300 = arith.constant 2 : i32
      %dma_start3A_301 = arith.constant 2 : i32
      %dma_start3A_302 = arith.constant 0 : i32
      %dma_start3A_303 = arith.constant 0 : i32
      %dma_start3A_304 = tpu.memref_slice %arg6[%dma_start3A_300, %dma_start3A_302, %dma_start3A_303] : memref<4x200x64xf32, #tpu.memory_space<vmem>> -> memref<1x200x64xf32, #tpu.memory_space<vmem>>
      %dma_start3A_305 = tpu.memref_squeeze %dma_start3A_304 : memref<1x200x64xf32, #tpu.memory_space<vmem>> -> memref<200x64xf32, #tpu.memory_space<vmem>>
      %dma_start3A_306 = arith.constant 0 : i32
      %dma_start3A_307 = arith.constant 0 : i32
      %dma_start3A_308 = tpu.memref_slice %arg4[%add3A_299, %dma_start3A_306, %dma_start3A_307] : memref<4096x200x128xf32, #tpu.memory_space<hbm>> -> memref<1x200x64xf32, #tpu.memory_space<hbm>>
      %dma_start3A_309 = tpu.memref_squeeze %dma_start3A_308 : memref<1x200x64xf32, #tpu.memory_space<hbm>> -> memref<200x64xf32, #tpu.memory_space<hbm>>
      %dma_start3A_310 = tpu.memref_slice %arg8[%dma_start3A_301] : memref<4x!tpu.dma_semaphore, #tpu.memory_space<semaphore_mem>> -> memref<1x!tpu.dma_semaphore, #tpu.memory_space<semaphore_mem>>
      %dma_start3A_311 = tpu.memref_squeeze %dma_start3A_310 : memref<1x!tpu.dma_semaphore, #tpu.memory_space<semaphore_mem>> -> memref<!tpu.dma_semaphore, #tpu.memory_space<semaphore_mem>>
      %dma_start3A_312 = arith.constant 0 : i32
      %dma_start3A_313 = arith.constant 0 : i32
      %dma_start3A_314 = tpu.memref_slice %arg4[%add3A_299, %dma_start3A_312, %dma_start3A_313] : memref<4096x200x128xf32, #tpu.memory_space<hbm>> -> memref<1x200x64xf32, #tpu.memory_space<hbm>>
      %dma_start3A_315 = tpu.memref_squeeze %dma_start3A_314 : memref<1x200x64xf32, #tpu.memory_space<hbm>> -> memref<200x64xf32, #tpu.memory_space<hbm>>
      %dma_start3A_316 = arith.constant 0 : i32
      %dma_start3A_317 = arith.constant 0 : i32
      %dma_start3A_318 = tpu.memref_slice %arg6[%dma_start3A_300, %dma_start3A_316, %dma_start3A_317] : memref<4x200x64xf32, #tpu.memory_space<vmem>> -> memref<1x200x64xf32, #tpu.memory_space<vmem>>
      %dma_start3A_319 = tpu.memref_squeeze %dma_start3A_318 : memref<1x200x64xf32, #tpu.memory_space<vmem>> -> memref<200x64xf32, #tpu.memory_space<vmem>>
      tpu.enqueue_dma source(%dma_start3A_319 : memref<200x64xf32, #tpu.memory_space<vmem>>) target(%dma_start3A_315 : memref<200x64xf32, #tpu.memory_space<hbm>>) target_semaphore(%dma_start3A_311 : memref<!tpu.dma_semaphore, #tpu.memory_space<semaphore_mem>>)
      %ge3A_320 = arith.constant 1 : i32
      %ge3A_321 = arith.cmpi sge, %add3A_268, %ge3A_320 : i32
      %convert_element_type3A_322 = arith.extui %ge3A_321 : i1 to i32
      %cond3A_323 = arith.constant 0 : i32
      %cond3A_324 = arith.cmpi ne, %convert_element_type3A_322, %cond3A_323 : i32
      scf.if %cond3A_324 {
        %sub3A = arith.constant 1 : i32
        %sub3A_400 = arith.subi %add3A_268, %sub3A : i32
        %add3A_401 = arith.addi %mul3A_2, %sub3A_400 : i32
        %dma_wait3A_402 = arith.constant 1 : i32
        %dma_wait3A_403 = arith.constant 1 : i32
        %dma_wait3A_404 = arith.constant 0 : i32
        %dma_wait3A_405 = arith.constant 0 : i32
        %dma_wait3A_406 = tpu.memref_slice %arg6[%dma_wait3A_402, %dma_wait3A_404, %dma_wait3A_405] : memref<4x200x64xf32, #tpu.memory_space<vmem>> -> memref<1x200x64xf32, #tpu.memory_space<vmem>>
        %dma_wait3A_407 = tpu.memref_squeeze %dma_wait3A_406 : memref<1x200x64xf32, #tpu.memory_space<vmem>> -> memref<200x64xf32, #tpu.memory_space<vmem>>
        %dma_wait3A_408 = arith.constant 0 : i32
        %dma_wait3A_409 = arith.constant 0 : i32
        %dma_wait3A_410 = tpu.memref_slice %arg4[%add3A_401, %dma_wait3A_408, %dma_wait3A_409] : memref<4096x200x128xf32, #tpu.memory_space<hbm>> -> memref<1x200x64xf32, #tpu.memory_space<hbm>>
        %dma_wait3A_411 = tpu.memref_squeeze %dma_wait3A_410 : memref<1x200x64xf32, #tpu.memory_space<hbm>> -> memref<200x64xf32, #tpu.memory_space<hbm>>
        %dma_wait3A_412 = tpu.memref_slice %arg8[%dma_wait3A_403] : memref<4x!tpu.dma_semaphore, #tpu.memory_space<semaphore_mem>> -> memref<1x!tpu.dma_semaphore, #tpu.memory_space<semaphore_mem>>
        %dma_wait3A_413 = tpu.memref_squeeze %dma_wait3A_412 : memref<1x!tpu.dma_semaphore, #tpu.memory_space<semaphore_mem>> -> memref<!tpu.dma_semaphore, #tpu.memory_space<semaphore_mem>>
        %dma_wait3A_414 = arith.constant 0 : i32
        %dma_wait3A_415 = arith.constant 0 : i32
        %dma_wait3A_416 = tpu.memref_slice %arg4[%add3A_401, %dma_wait3A_414, %dma_wait3A_415] : memref<4096x200x128xf32, #tpu.memory_space<hbm>> -> memref<1x200x64xf32, #tpu.memory_space<hbm>>
        %dma_wait3A_417 = tpu.memref_squeeze %dma_wait3A_416 : memref<1x200x64xf32, #tpu.memory_space<hbm>> -> memref<200x64xf32, #tpu.memory_space<hbm>>
        %dma_wait3A_418 = arith.constant 0 : i32
        %dma_wait3A_419 = arith.constant 0 : i32
        %dma_wait3A_420 = tpu.memref_slice %arg6[%dma_wait3A_402, %dma_wait3A_418, %dma_wait3A_419] : memref<4x200x64xf32, #tpu.memory_space<vmem>> -> memref<1x200x64xf32, #tpu.memory_space<vmem>>
        %dma_wait3A_421 = tpu.memref_squeeze %dma_wait3A_420 : memref<1x200x64xf32, #tpu.memory_space<vmem>> -> memref<200x64xf32, #tpu.memory_space<vmem>>
        tpu.wait_dma2 semaphore(%dma_wait3A_413 : memref<!tpu.dma_semaphore, #tpu.memory_space<semaphore_mem>>) src(%dma_wait3A_421 : memref<200x64xf32, #tpu.memory_space<vmem>>) dst(%dma_wait3A_417 : memref<200x64xf32, #tpu.memory_space<hbm>>)
      } else {
      }
      %add3A_325 = arith.constant 3 : i32
      %add3A_326 = arith.addi %add3A_268, %add3A_325 : i32
      %lt3A_327 = arith.constant 128 : i32
      %lt3A_328 = arith.cmpi slt, %add3A_326, %lt3A_327 : i32
      %convert_element_type3A_329 = arith.extui %lt3A_328 : i1 to i32
      %cond3A_330 = arith.constant 0 : i32
      %cond3A_331 = arith.cmpi ne, %convert_element_type3A_329, %cond3A_330 : i32
      scf.if %cond3A_331 {
        %add3A_400 = arith.constant 3 : i32
        %add3A_401 = arith.addi %add3A_268, %add3A_400 : i32
        %add3A_402 = arith.addi %mul3A_2, %add3A_401 : i32
        %mul3A_403 = arith.constant 200 : i32
        %mul3A_404 = arith.muli %add3A_402, %mul3A_403 : i32
        %run_scoped3A_405 = arith.constant 1 : i32
        "tpu.region"() ({
          %run_scoped3A_436 = tpu.sem_alloc : memref<!tpu.dma_semaphore, #tpu.memory_space<semaphore_mem>>
          %dma_start3A_437 = arith.constant 0 : i32
          %dma_start3A_438 = tpu.memref_slice %arg5[%run_scoped3A_405, %dma_start3A_437] : memref<4x200xi32, #tpu.memory_space<vmem>> -> memref<1x200xi32, #tpu.memory_space<vmem>>
          %dma_start3A_439 = tpu.memref_squeeze %dma_start3A_438 : memref<1x200xi32, #tpu.memory_space<vmem>> -> memref<200xi32, #tpu.memory_space<vmem>>
          %dma_start3A_440 = tpu.memref_slice %arg3[%mul3A_404] : memref<819200xi32, #tpu.memory_space<hbm>> -> memref<200xi32, #tpu.memory_space<hbm>>
          %dma_start3A_441 = arith.constant 0 : i32
          %dma_start3A_442 = tpu.memref_slice %arg5[%run_scoped3A_405, %dma_start3A_441] : memref<4x200xi32, #tpu.memory_space<vmem>> -> memref<1x200xi32, #tpu.memory_space<vmem>>
          %dma_start3A_443 = tpu.memref_squeeze %dma_start3A_442 : memref<1x200xi32, #tpu.memory_space<vmem>> -> memref<200xi32, #tpu.memory_space<vmem>>
          %dma_start3A_444 = tpu.memref_slice %arg3[%mul3A_404] : memref<819200xi32, #tpu.memory_space<hbm>> -> memref<200xi32, #tpu.memory_space<hbm>>
          tpu.enqueue_dma source(%dma_start3A_444 : memref<200xi32, #tpu.memory_space<hbm>>) target(%dma_start3A_443 : memref<200xi32, #tpu.memory_space<vmem>>) target_semaphore(%run_scoped3A_436 : memref<!tpu.dma_semaphore, #tpu.memory_space<semaphore_mem>>)
          %dma_wait3A_445 = arith.constant 0 : i32
          %dma_wait3A_446 = tpu.memref_slice %arg5[%run_scoped3A_405, %dma_wait3A_445] : memref<4x200xi32, #tpu.memory_space<vmem>> -> memref<1x200xi32, #tpu.memory_space<vmem>>
          %dma_wait3A_447 = tpu.memref_squeeze %dma_wait3A_446 : memref<1x200xi32, #tpu.memory_space<vmem>> -> memref<200xi32, #tpu.memory_space<vmem>>
          %dma_wait3A_448 = tpu.memref_slice %arg3[%mul3A_404] : memref<819200xi32, #tpu.memory_space<hbm>> -> memref<200xi32, #tpu.memory_space<hbm>>
          %dma_wait3A_449 = arith.constant 0 : i32
          %dma_wait3A_450 = tpu.memref_slice %arg5[%run_scoped3A_405, %dma_wait3A_449] : memref<4x200xi32, #tpu.memory_space<vmem>> -> memref<1x200xi32, #tpu.memory_space<vmem>>
          %dma_wait3A_451 = tpu.memref_squeeze %dma_wait3A_450 : memref<1x200xi32, #tpu.memory_space<vmem>> -> memref<200xi32, #tpu.memory_space<vmem>>
          %dma_wait3A_452 = tpu.memref_slice %arg3[%mul3A_404] : memref<819200xi32, #tpu.memory_space<hbm>> -> memref<200xi32, #tpu.memory_space<hbm>>
          tpu.wait_dma2 semaphore(%run_scoped3A_436 : memref<!tpu.dma_semaphore, #tpu.memory_space<semaphore_mem>>) src(%dma_wait3A_452 : memref<200xi32, #tpu.memory_space<hbm>>) dst(%dma_wait3A_451 : memref<200xi32, #tpu.memory_space<vmem>>)
          tpu.yield
        }) : () -> ()
        %dma_start3A_406 = arith.constant 1 : i32
        %dma_start3A_407 = arith.constant 1 : i32
        %dma_start3A_408 = arith.constant 1 : i32
        %dma_start3A_409 = arith.constant 0 : i32
        %dma_start3A_410 = arith.constant 0 : i32
        %dma_start3A_411 = tpu.memref_slice %arg6[%dma_start3A_407, %dma_start3A_409, %dma_start3A_410] : memref<4x200x64xf32, #tpu.memory_space<vmem>> -> memref<1x128x64xf32, #tpu.memory_space<vmem>>
        %dma_start3A_412 = tpu.memref_squeeze %dma_start3A_411 : memref<1x128x64xf32, #tpu.memory_space<vmem>> -> memref<128x64xf32, #tpu.memory_space<vmem>>
        %dma_start3A_413 = arith.constant 0 : i32
        %dma_start3A_414 = tpu.memref_slice %arg5[%dma_start3A_406, %dma_start3A_413] : memref<4x200xi32, #tpu.memory_space<vmem>> -> memref<1x128xi32, #tpu.memory_space<vmem>>
        %dma_start3A_415 = tpu.memref_squeeze %dma_start3A_414 : memref<1x128xi32, #tpu.memory_space<vmem>> -> memref<128xi32, #tpu.memory_space<vmem>>
        %dma_start3A_416 = arith.constant 0 : i32
        %dma_start3A_417 = arith.constant 0 : i32
        %dma_start3A_418 = tpu.memref_slice %arg2[%dma_start3A_416, %dma_start3A_417] : memref<1000000x64xf32, #tpu.memory_space<hbm>> -> memref<1000000x64xf32, #tpu.memory_space<hbm>>
        %dma_start3A_419 = tpu.memref_slice %arg7[%dma_start3A_408] : memref<4x!tpu.dma_semaphore, #tpu.memory_space<semaphore_mem>> -> memref<1x!tpu.dma_semaphore, #tpu.memory_space<semaphore_mem>>
        %dma_start3A_420 = tpu.memref_squeeze %dma_start3A_419 : memref<1x!tpu.dma_semaphore, #tpu.memory_space<semaphore_mem>> -> memref<!tpu.dma_semaphore, #tpu.memory_space<semaphore_mem>>
        tpu.enqueue_indirect_dma source(%dma_start3A_418 : memref<1000000x64xf32, #tpu.memory_space<hbm>>) target(%dma_start3A_412 : memref<128x64xf32, #tpu.memory_space<vmem>>) offsets(%dma_start3A_415 : memref<128xi32, #tpu.memory_space<vmem>>) semaphore(%dma_start3A_420 : memref<!tpu.dma_semaphore, #tpu.memory_space<semaphore_mem>>)
        %dma_start3A_421 = arith.constant 1 : i32
        %dma_start3A_422 = arith.constant 1 : i32
        %dma_start3A_423 = arith.constant 1 : i32
        %dma_start3A_424 = arith.constant 128 : i32
        %dma_start3A_425 = arith.constant 0 : i32
        %dma_start3A_426 = tpu.memref_slice %arg6[%dma_start3A_422, %dma_start3A_424, %dma_start3A_425] : memref<4x200x64xf32, #tpu.memory_space<vmem>> -> memref<1x72x64xf32, #tpu.memory_space<vmem>>
        %dma_start3A_427 = tpu.memref_squeeze %dma_start3A_426 : memref<1x72x64xf32, #tpu.memory_space<vmem>> -> memref<72x64xf32, #tpu.memory_space<vmem>>
        %dma_start3A_428 = arith.constant 128 : i32
        %dma_start3A_429 = tpu.memref_slice %arg5[%dma_start3A_421, %dma_start3A_428] : memref<4x200xi32, #tpu.memory_space<vmem>> -> memref<1x72xi32, #tpu.memory_space<vmem>>
        %dma_start3A_430 = tpu.memref_squeeze %dma_start3A_429 : memref<1x72xi32, #tpu.memory_space<vmem>> -> memref<72xi32, #tpu.memory_space<vmem>>
        %dma_start3A_431 = arith.constant 0 : i32
        %dma_start3A_432 = arith.constant 0 : i32
        %dma_start3A_433 = tpu.memref_slice %arg2[%dma_start3A_431, %dma_start3A_432] : memref<1000000x64xf32, #tpu.memory_space<hbm>> -> memref<1000000x64xf32, #tpu.memory_space<hbm>>
        %dma_start3A_434 = tpu.memref_slice %arg7[%dma_start3A_423] : memref<4x!tpu.dma_semaphore, #tpu.memory_space<semaphore_mem>> -> memref<1x!tpu.dma_semaphore, #tpu.memory_space<semaphore_mem>>
        %dma_start3A_435 = tpu.memref_squeeze %dma_start3A_434 : memref<1x!tpu.dma_semaphore, #tpu.memory_space<semaphore_mem>> -> memref<!tpu.dma_semaphore, #tpu.memory_space<semaphore_mem>>
        tpu.enqueue_indirect_dma source(%dma_start3A_433 : memref<1000000x64xf32, #tpu.memory_space<hbm>>) target(%dma_start3A_427 : memref<72x64xf32, #tpu.memory_space<vmem>>) offsets(%dma_start3A_430 : memref<72xi32, #tpu.memory_space<vmem>>) semaphore(%dma_start3A_435 : memref<!tpu.dma_semaphore, #tpu.memory_space<semaphore_mem>>)
      } else {
      }
      %mul3A_332 = arith.constant 4 : i32
      %mul3A_333 = arith.muli %scan3A_133, %mul3A_332 : i32
      %add3A_334 = arith.constant 3 : i32
      %add3A_335 = arith.addi %mul3A_333, %add3A_334 : i32
      %dma_wait3A_336 = arith.constant 3 : i32
      %dma_wait3A_337 = arith.constant 3 : i32
      %dma_wait3A_338 = arith.constant 3 : i32
      %dma_wait3A_339 = arith.constant 0 : i32
      %dma_wait3A_340 = arith.constant 0 : i32
      %dma_wait3A_341 = tpu.memref_slice %arg6[%dma_wait3A_337, %dma_wait3A_339, %dma_wait3A_340] : memref<4x200x64xf32, #tpu.memory_space<vmem>> -> memref<1x128x64xf32, #tpu.memory_space<vmem>>
      %dma_wait3A_342 = tpu.memref_squeeze %dma_wait3A_341 : memref<1x128x64xf32, #tpu.memory_space<vmem>> -> memref<128x64xf32, #tpu.memory_space<vmem>>
      %dma_wait3A_343 = arith.constant 0 : i32
      %dma_wait3A_344 = tpu.memref_slice %arg5[%dma_wait3A_336, %dma_wait3A_343] : memref<4x200xi32, #tpu.memory_space<vmem>> -> memref<1x128xi32, #tpu.memory_space<vmem>>
      %dma_wait3A_345 = tpu.memref_squeeze %dma_wait3A_344 : memref<1x128xi32, #tpu.memory_space<vmem>> -> memref<128xi32, #tpu.memory_space<vmem>>
      %dma_wait3A_346 = arith.constant 0 : i32
      %dma_wait3A_347 = arith.constant 0 : i32
      %dma_wait3A_348 = tpu.memref_slice %arg2[%dma_wait3A_346, %dma_wait3A_347] : memref<1000000x64xf32, #tpu.memory_space<hbm>> -> memref<1000000x64xf32, #tpu.memory_space<hbm>>
      %dma_wait3A_349 = tpu.memref_slice %arg7[%dma_wait3A_338] : memref<4x!tpu.dma_semaphore, #tpu.memory_space<semaphore_mem>> -> memref<1x!tpu.dma_semaphore, #tpu.memory_space<semaphore_mem>>
      %dma_wait3A_350 = tpu.memref_squeeze %dma_wait3A_349 : memref<1x!tpu.dma_semaphore, #tpu.memory_space<semaphore_mem>> -> memref<!tpu.dma_semaphore, #tpu.memory_space<semaphore_mem>>
      tpu.wait_indirect_dma semaphore(%dma_wait3A_350 : memref<!tpu.dma_semaphore, #tpu.memory_space<semaphore_mem>>) src(%dma_wait3A_348 : memref<1000000x64xf32, #tpu.memory_space<hbm>>) dst(%dma_wait3A_342 : memref<128x64xf32, #tpu.memory_space<vmem>>)
      %dma_wait3A_351 = arith.constant 3 : i32
      %dma_wait3A_352 = arith.constant 3 : i32
      %dma_wait3A_353 = arith.constant 3 : i32
      %dma_wait3A_354 = arith.constant 128 : i32
      %dma_wait3A_355 = arith.constant 0 : i32
      %dma_wait3A_356 = tpu.memref_slice %arg6[%dma_wait3A_352, %dma_wait3A_354, %dma_wait3A_355] : memref<4x200x64xf32, #tpu.memory_space<vmem>> -> memref<1x72x64xf32, #tpu.memory_space<vmem>>
      %dma_wait3A_357 = tpu.memref_squeeze %dma_wait3A_356 : memref<1x72x64xf32, #tpu.memory_space<vmem>> -> memref<72x64xf32, #tpu.memory_space<vmem>>
      %dma_wait3A_358 = arith.constant 128 : i32
      %dma_wait3A_359 = tpu.memref_slice %arg5[%dma_wait3A_351, %dma_wait3A_358] : memref<4x200xi32, #tpu.memory_space<vmem>> -> memref<1x72xi32, #tpu.memory_space<vmem>>
      %dma_wait3A_360 = tpu.memref_squeeze %dma_wait3A_359 : memref<1x72xi32, #tpu.memory_space<vmem>> -> memref<72xi32, #tpu.memory_space<vmem>>
      %dma_wait3A_361 = arith.constant 0 : i32
      %dma_wait3A_362 = arith.constant 0 : i32
      %dma_wait3A_363 = tpu.memref_slice %arg2[%dma_wait3A_361, %dma_wait3A_362] : memref<1000000x64xf32, #tpu.memory_space<hbm>> -> memref<1000000x64xf32, #tpu.memory_space<hbm>>
      %dma_wait3A_364 = tpu.memref_slice %arg7[%dma_wait3A_353] : memref<4x!tpu.dma_semaphore, #tpu.memory_space<semaphore_mem>> -> memref<1x!tpu.dma_semaphore, #tpu.memory_space<semaphore_mem>>
      %dma_wait3A_365 = tpu.memref_squeeze %dma_wait3A_364 : memref<1x!tpu.dma_semaphore, #tpu.memory_space<semaphore_mem>> -> memref<!tpu.dma_semaphore, #tpu.memory_space<semaphore_mem>>
      tpu.wait_indirect_dma semaphore(%dma_wait3A_365 : memref<!tpu.dma_semaphore, #tpu.memory_space<semaphore_mem>>) src(%dma_wait3A_363 : memref<1000000x64xf32, #tpu.memory_space<hbm>>) dst(%dma_wait3A_357 : memref<72x64xf32, #tpu.memory_space<vmem>>)
      %add3A_366 = arith.addi %mul3A_2, %add3A_335 : i32
      %dma_start3A_367 = arith.constant 3 : i32
      %dma_start3A_368 = arith.constant 3 : i32
      %dma_start3A_369 = arith.constant 0 : i32
      %dma_start3A_370 = arith.constant 0 : i32
      %dma_start3A_371 = tpu.memref_slice %arg6[%dma_start3A_367, %dma_start3A_369, %dma_start3A_370] : memref<4x200x64xf32, #tpu.memory_space<vmem>> -> memref<1x200x64xf32, #tpu.memory_space<vmem>>
      %dma_start3A_372 = tpu.memref_squeeze %dma_start3A_371 : memref<1x200x64xf32, #tpu.memory_space<vmem>> -> memref<200x64xf32, #tpu.memory_space<vmem>>
      %dma_start3A_373 = arith.constant 0 : i32
      %dma_start3A_374 = arith.constant 0 : i32
      %dma_start3A_375 = tpu.memref_slice %arg4[%add3A_366, %dma_start3A_373, %dma_start3A_374] : memref<4096x200x128xf32, #tpu.memory_space<hbm>> -> memref<1x200x64xf32, #tpu.memory_space<hbm>>
      %dma_start3A_376 = tpu.memref_squeeze %dma_start3A_375 : memref<1x200x64xf32, #tpu.memory_space<hbm>> -> memref<200x64xf32, #tpu.memory_space<hbm>>
      %dma_start3A_377 = tpu.memref_slice %arg8[%dma_start3A_368] : memref<4x!tpu.dma_semaphore, #tpu.memory_space<semaphore_mem>> -> memref<1x!tpu.dma_semaphore, #tpu.memory_space<semaphore_mem>>
      %dma_start3A_378 = tpu.memref_squeeze %dma_start3A_377 : memref<1x!tpu.dma_semaphore, #tpu.memory_space<semaphore_mem>> -> memref<!tpu.dma_semaphore, #tpu.memory_space<semaphore_mem>>
      %dma_start3A_379 = arith.constant 0 : i32
      %dma_start3A_380 = arith.constant 0 : i32
      %dma_start3A_381 = tpu.memref_slice %arg4[%add3A_366, %dma_start3A_379, %dma_start3A_380] : memref<4096x200x128xf32, #tpu.memory_space<hbm>> -> memref<1x200x64xf32, #tpu.memory_space<hbm>>
      %dma_start3A_382 = tpu.memref_squeeze %dma_start3A_381 : memref<1x200x64xf32, #tpu.memory_space<hbm>> -> memref<200x64xf32, #tpu.memory_space<hbm>>
      %dma_start3A_383 = arith.constant 0 : i32
      %dma_start3A_384 = arith.constant 0 : i32
      %dma_start3A_385 = tpu.memref_slice %arg6[%dma_start3A_367, %dma_start3A_383, %dma_start3A_384] : memref<4x200x64xf32, #tpu.memory_space<vmem>> -> memref<1x200x64xf32, #tpu.memory_space<vmem>>
      %dma_start3A_386 = tpu.memref_squeeze %dma_start3A_385 : memref<1x200x64xf32, #tpu.memory_space<vmem>> -> memref<200x64xf32, #tpu.memory_space<vmem>>
      tpu.enqueue_dma source(%dma_start3A_386 : memref<200x64xf32, #tpu.memory_space<vmem>>) target(%dma_start3A_382 : memref<200x64xf32, #tpu.memory_space<hbm>>) target_semaphore(%dma_start3A_378 : memref<!tpu.dma_semaphore, #tpu.memory_space<semaphore_mem>>)
      %ge3A_387 = arith.constant 1 : i32
      %ge3A_388 = arith.cmpi sge, %add3A_335, %ge3A_387 : i32
      %convert_element_type3A_389 = arith.extui %ge3A_388 : i1 to i32
      %cond3A_390 = arith.constant 0 : i32
      %cond3A_391 = arith.cmpi ne, %convert_element_type3A_389, %cond3A_390 : i32
      scf.if %cond3A_391 {
        %sub3A = arith.constant 1 : i32
        %sub3A_400 = arith.subi %add3A_335, %sub3A : i32
        %add3A_401 = arith.addi %mul3A_2, %sub3A_400 : i32
        %dma_wait3A_402 = arith.constant 2 : i32
        %dma_wait3A_403 = arith.constant 2 : i32
        %dma_wait3A_404 = arith.constant 0 : i32
        %dma_wait3A_405 = arith.constant 0 : i32
        %dma_wait3A_406 = tpu.memref_slice %arg6[%dma_wait3A_402, %dma_wait3A_404, %dma_wait3A_405] : memref<4x200x64xf32, #tpu.memory_space<vmem>> -> memref<1x200x64xf32, #tpu.memory_space<vmem>>
        %dma_wait3A_407 = tpu.memref_squeeze %dma_wait3A_406 : memref<1x200x64xf32, #tpu.memory_space<vmem>> -> memref<200x64xf32, #tpu.memory_space<vmem>>
        %dma_wait3A_408 = arith.constant 0 : i32
        %dma_wait3A_409 = arith.constant 0 : i32
        %dma_wait3A_410 = tpu.memref_slice %arg4[%add3A_401, %dma_wait3A_408, %dma_wait3A_409] : memref<4096x200x128xf32, #tpu.memory_space<hbm>> -> memref<1x200x64xf32, #tpu.memory_space<hbm>>
        %dma_wait3A_411 = tpu.memref_squeeze %dma_wait3A_410 : memref<1x200x64xf32, #tpu.memory_space<hbm>> -> memref<200x64xf32, #tpu.memory_space<hbm>>
        %dma_wait3A_412 = tpu.memref_slice %arg8[%dma_wait3A_403] : memref<4x!tpu.dma_semaphore, #tpu.memory_space<semaphore_mem>> -> memref<1x!tpu.dma_semaphore, #tpu.memory_space<semaphore_mem>>
        %dma_wait3A_413 = tpu.memref_squeeze %dma_wait3A_412 : memref<1x!tpu.dma_semaphore, #tpu.memory_space<semaphore_mem>> -> memref<!tpu.dma_semaphore, #tpu.memory_space<semaphore_mem>>
        %dma_wait3A_414 = arith.constant 0 : i32
        %dma_wait3A_415 = arith.constant 0 : i32
        %dma_wait3A_416 = tpu.memref_slice %arg4[%add3A_401, %dma_wait3A_414, %dma_wait3A_415] : memref<4096x200x128xf32, #tpu.memory_space<hbm>> -> memref<1x200x64xf32, #tpu.memory_space<hbm>>
        %dma_wait3A_417 = tpu.memref_squeeze %dma_wait3A_416 : memref<1x200x64xf32, #tpu.memory_space<hbm>> -> memref<200x64xf32, #tpu.memory_space<hbm>>
        %dma_wait3A_418 = arith.constant 0 : i32
        %dma_wait3A_419 = arith.constant 0 : i32
        %dma_wait3A_420 = tpu.memref_slice %arg6[%dma_wait3A_402, %dma_wait3A_418, %dma_wait3A_419] : memref<4x200x64xf32, #tpu.memory_space<vmem>> -> memref<1x200x64xf32, #tpu.memory_space<vmem>>
        %dma_wait3A_421 = tpu.memref_squeeze %dma_wait3A_420 : memref<1x200x64xf32, #tpu.memory_space<vmem>> -> memref<200x64xf32, #tpu.memory_space<vmem>>
        tpu.wait_dma2 semaphore(%dma_wait3A_413 : memref<!tpu.dma_semaphore, #tpu.memory_space<semaphore_mem>>) src(%dma_wait3A_421 : memref<200x64xf32, #tpu.memory_space<vmem>>) dst(%dma_wait3A_417 : memref<200x64xf32, #tpu.memory_space<hbm>>)
      } else {
      }
      %add3A_392 = arith.constant 3 : i32
      %add3A_393 = arith.addi %add3A_335, %add3A_392 : i32
      %lt3A_394 = arith.constant 128 : i32
      %lt3A_395 = arith.cmpi slt, %add3A_393, %lt3A_394 : i32
      %convert_element_type3A_396 = arith.extui %lt3A_395 : i1 to i32
      %cond3A_397 = arith.constant 0 : i32
      %cond3A_398 = arith.cmpi ne, %convert_element_type3A_396, %cond3A_397 : i32
      scf.if %cond3A_398 {
        %add3A_400 = arith.constant 3 : i32
        %add3A_401 = arith.addi %add3A_335, %add3A_400 : i32
        %add3A_402 = arith.addi %mul3A_2, %add3A_401 : i32
        %mul3A_403 = arith.constant 200 : i32
        %mul3A_404 = arith.muli %add3A_402, %mul3A_403 : i32
        %run_scoped3A_405 = arith.constant 2 : i32
        "tpu.region"() ({
          %run_scoped3A_436 = tpu.sem_alloc : memref<!tpu.dma_semaphore, #tpu.memory_space<semaphore_mem>>
          %dma_start3A_437 = arith.constant 0 : i32
          %dma_start3A_438 = tpu.memref_slice %arg5[%run_scoped3A_405, %dma_start3A_437] : memref<4x200xi32, #tpu.memory_space<vmem>> -> memref<1x200xi32, #tpu.memory_space<vmem>>
          %dma_start3A_439 = tpu.memref_squeeze %dma_start3A_438 : memref<1x200xi32, #tpu.memory_space<vmem>> -> memref<200xi32, #tpu.memory_space<vmem>>
          %dma_start3A_440 = tpu.memref_slice %arg3[%mul3A_404] : memref<819200xi32, #tpu.memory_space<hbm>> -> memref<200xi32, #tpu.memory_space<hbm>>
          %dma_start3A_441 = arith.constant 0 : i32
          %dma_start3A_442 = tpu.memref_slice %arg5[%run_scoped3A_405, %dma_start3A_441] : memref<4x200xi32, #tpu.memory_space<vmem>> -> memref<1x200xi32, #tpu.memory_space<vmem>>
          %dma_start3A_443 = tpu.memref_squeeze %dma_start3A_442 : memref<1x200xi32, #tpu.memory_space<vmem>> -> memref<200xi32, #tpu.memory_space<vmem>>
          %dma_start3A_444 = tpu.memref_slice %arg3[%mul3A_404] : memref<819200xi32, #tpu.memory_space<hbm>> -> memref<200xi32, #tpu.memory_space<hbm>>
          tpu.enqueue_dma source(%dma_start3A_444 : memref<200xi32, #tpu.memory_space<hbm>>) target(%dma_start3A_443 : memref<200xi32, #tpu.memory_space<vmem>>) target_semaphore(%run_scoped3A_436 : memref<!tpu.dma_semaphore, #tpu.memory_space<semaphore_mem>>)
          %dma_wait3A_445 = arith.constant 0 : i32
          %dma_wait3A_446 = tpu.memref_slice %arg5[%run_scoped3A_405, %dma_wait3A_445] : memref<4x200xi32, #tpu.memory_space<vmem>> -> memref<1x200xi32, #tpu.memory_space<vmem>>
          %dma_wait3A_447 = tpu.memref_squeeze %dma_wait3A_446 : memref<1x200xi32, #tpu.memory_space<vmem>> -> memref<200xi32, #tpu.memory_space<vmem>>
          %dma_wait3A_448 = tpu.memref_slice %arg3[%mul3A_404] : memref<819200xi32, #tpu.memory_space<hbm>> -> memref<200xi32, #tpu.memory_space<hbm>>
          %dma_wait3A_449 = arith.constant 0 : i32
          %dma_wait3A_450 = tpu.memref_slice %arg5[%run_scoped3A_405, %dma_wait3A_449] : memref<4x200xi32, #tpu.memory_space<vmem>> -> memref<1x200xi32, #tpu.memory_space<vmem>>
          %dma_wait3A_451 = tpu.memref_squeeze %dma_wait3A_450 : memref<1x200xi32, #tpu.memory_space<vmem>> -> memref<200xi32, #tpu.memory_space<vmem>>
          %dma_wait3A_452 = tpu.memref_slice %arg3[%mul3A_404] : memref<819200xi32, #tpu.memory_space<hbm>> -> memref<200xi32, #tpu.memory_space<hbm>>
          tpu.wait_dma2 semaphore(%run_scoped3A_436 : memref<!tpu.dma_semaphore, #tpu.memory_space<semaphore_mem>>) src(%dma_wait3A_452 : memref<200xi32, #tpu.memory_space<hbm>>) dst(%dma_wait3A_451 : memref<200xi32, #tpu.memory_space<vmem>>)
          tpu.yield
        }) : () -> ()
        %dma_start3A_406 = arith.constant 2 : i32
        %dma_start3A_407 = arith.constant 2 : i32
        %dma_start3A_408 = arith.constant 2 : i32
        %dma_start3A_409 = arith.constant 0 : i32
        %dma_start3A_410 = arith.constant 0 : i32
        %dma_start3A_411 = tpu.memref_slice %arg6[%dma_start3A_407, %dma_start3A_409, %dma_start3A_410] : memref<4x200x64xf32, #tpu.memory_space<vmem>> -> memref<1x128x64xf32, #tpu.memory_space<vmem>>
        %dma_start3A_412 = tpu.memref_squeeze %dma_start3A_411 : memref<1x128x64xf32, #tpu.memory_space<vmem>> -> memref<128x64xf32, #tpu.memory_space<vmem>>
        %dma_start3A_413 = arith.constant 0 : i32
        %dma_start3A_414 = tpu.memref_slice %arg5[%dma_start3A_406, %dma_start3A_413] : memref<4x200xi32, #tpu.memory_space<vmem>> -> memref<1x128xi32, #tpu.memory_space<vmem>>
        %dma_start3A_415 = tpu.memref_squeeze %dma_start3A_414 : memref<1x128xi32, #tpu.memory_space<vmem>> -> memref<128xi32, #tpu.memory_space<vmem>>
        %dma_start3A_416 = arith.constant 0 : i32
        %dma_start3A_417 = arith.constant 0 : i32
        %dma_start3A_418 = tpu.memref_slice %arg2[%dma_start3A_416, %dma_start3A_417] : memref<1000000x64xf32, #tpu.memory_space<hbm>> -> memref<1000000x64xf32, #tpu.memory_space<hbm>>
        %dma_start3A_419 = tpu.memref_slice %arg7[%dma_start3A_408] : memref<4x!tpu.dma_semaphore, #tpu.memory_space<semaphore_mem>> -> memref<1x!tpu.dma_semaphore, #tpu.memory_space<semaphore_mem>>
        %dma_start3A_420 = tpu.memref_squeeze %dma_start3A_419 : memref<1x!tpu.dma_semaphore, #tpu.memory_space<semaphore_mem>> -> memref<!tpu.dma_semaphore, #tpu.memory_space<semaphore_mem>>
        tpu.enqueue_indirect_dma source(%dma_start3A_418 : memref<1000000x64xf32, #tpu.memory_space<hbm>>) target(%dma_start3A_412 : memref<128x64xf32, #tpu.memory_space<vmem>>) offsets(%dma_start3A_415 : memref<128xi32, #tpu.memory_space<vmem>>) semaphore(%dma_start3A_420 : memref<!tpu.dma_semaphore, #tpu.memory_space<semaphore_mem>>)
        %dma_start3A_421 = arith.constant 2 : i32
        %dma_start3A_422 = arith.constant 2 : i32
        %dma_start3A_423 = arith.constant 2 : i32
        %dma_start3A_424 = arith.constant 128 : i32
        %dma_start3A_425 = arith.constant 0 : i32
        %dma_start3A_426 = tpu.memref_slice %arg6[%dma_start3A_422, %dma_start3A_424, %dma_start3A_425] : memref<4x200x64xf32, #tpu.memory_space<vmem>> -> memref<1x72x64xf32, #tpu.memory_space<vmem>>
        %dma_start3A_427 = tpu.memref_squeeze %dma_start3A_426 : memref<1x72x64xf32, #tpu.memory_space<vmem>> -> memref<72x64xf32, #tpu.memory_space<vmem>>
        %dma_start3A_428 = arith.constant 128 : i32
        %dma_start3A_429 = tpu.memref_slice %arg5[%dma_start3A_421, %dma_start3A_428] : memref<4x200xi32, #tpu.memory_space<vmem>> -> memref<1x72xi32, #tpu.memory_space<vmem>>
        %dma_start3A_430 = tpu.memref_squeeze %dma_start3A_429 : memref<1x72xi32, #tpu.memory_space<vmem>> -> memref<72xi32, #tpu.memory_space<vmem>>
        %dma_start3A_431 = arith.constant 0 : i32
        %dma_start3A_432 = arith.constant 0 : i32
        %dma_start3A_433 = tpu.memref_slice %arg2[%dma_start3A_431, %dma_start3A_432] : memref<1000000x64xf32, #tpu.memory_space<hbm>> -> memref<1000000x64xf32, #tpu.memory_space<hbm>>
        %dma_start3A_434 = tpu.memref_slice %arg7[%dma_start3A_423] : memref<4x!tpu.dma_semaphore, #tpu.memory_space<semaphore_mem>> -> memref<1x!tpu.dma_semaphore, #tpu.memory_space<semaphore_mem>>
        %dma_start3A_435 = tpu.memref_squeeze %dma_start3A_434 : memref<1x!tpu.dma_semaphore, #tpu.memory_space<semaphore_mem>> -> memref<!tpu.dma_semaphore, #tpu.memory_space<semaphore_mem>>
        tpu.enqueue_indirect_dma source(%dma_start3A_433 : memref<1000000x64xf32, #tpu.memory_space<hbm>>) target(%dma_start3A_427 : memref<72x64xf32, #tpu.memory_space<vmem>>) offsets(%dma_start3A_430 : memref<72xi32, #tpu.memory_space<vmem>>) semaphore(%dma_start3A_435 : memref<!tpu.dma_semaphore, #tpu.memory_space<semaphore_mem>>)
      } else {
      }
      %scan3A_399 = arith.constant 0 : i32
      scf.yield %scan3A_399 : i32
    }
    %scan3A_111 = arith.constant 32 : i32
    %add3A_112 = arith.constant 127 : i32
    %add3A_113 = arith.addi %mul3A_2, %add3A_112 : i32
    %dma_wait3A = arith.constant 3 : i32
    %dma_wait3A_114 = arith.constant 3 : i32
    %dma_wait3A_115 = arith.constant 0 : i32
    %dma_wait3A_116 = arith.constant 0 : i32
    %dma_wait3A_117 = tpu.memref_slice %arg6[%dma_wait3A, %dma_wait3A_115, %dma_wait3A_116] : memref<4x200x64xf32, #tpu.memory_space<vmem>> -> memref<1x200x64xf32, #tpu.memory_space<vmem>>
    %dma_wait3A_118 = tpu.memref_squeeze %dma_wait3A_117 : memref<1x200x64xf32, #tpu.memory_space<vmem>> -> memref<200x64xf32, #tpu.memory_space<vmem>>
    %dma_wait3A_119 = arith.constant 0 : i32
    %dma_wait3A_120 = arith.constant 0 : i32
    %dma_wait3A_121 = tpu.memref_slice %arg4[%add3A_113, %dma_wait3A_119, %dma_wait3A_120] : memref<4096x200x128xf32, #tpu.memory_space<hbm>> -> memref<1x200x64xf32, #tpu.memory_space<hbm>>
    %dma_wait3A_122 = tpu.memref_squeeze %dma_wait3A_121 : memref<1x200x64xf32, #tpu.memory_space<hbm>> -> memref<200x64xf32, #tpu.memory_space<hbm>>
    %dma_wait3A_123 = tpu.memref_slice %arg8[%dma_wait3A_114] : memref<4x!tpu.dma_semaphore, #tpu.memory_space<semaphore_mem>> -> memref<1x!tpu.dma_semaphore, #tpu.memory_space<semaphore_mem>>
    %dma_wait3A_124 = tpu.memref_squeeze %dma_wait3A_123 : memref<1x!tpu.dma_semaphore, #tpu.memory_space<semaphore_mem>> -> memref<!tpu.dma_semaphore, #tpu.memory_space<semaphore_mem>>
    %dma_wait3A_125 = arith.constant 0 : i32
    %dma_wait3A_126 = arith.constant 0 : i32
    %dma_wait3A_127 = tpu.memref_slice %arg4[%add3A_113, %dma_wait3A_125, %dma_wait3A_126] : memref<4096x200x128xf32, #tpu.memory_space<hbm>> -> memref<1x200x64xf32, #tpu.memory_space<hbm>>
    %dma_wait3A_128 = tpu.memref_squeeze %dma_wait3A_127 : memref<1x200x64xf32, #tpu.memory_space<hbm>> -> memref<200x64xf32, #tpu.memory_space<hbm>>
    %dma_wait3A_129 = arith.constant 0 : i32
    %dma_wait3A_130 = arith.constant 0 : i32
    %dma_wait3A_131 = tpu.memref_slice %arg6[%dma_wait3A, %dma_wait3A_129, %dma_wait3A_130] : memref<4x200x64xf32, #tpu.memory_space<vmem>> -> memref<1x200x64xf32, #tpu.memory_space<vmem>>
    %dma_wait3A_132 = tpu.memref_squeeze %dma_wait3A_131 : memref<1x200x64xf32, #tpu.memory_space<vmem>> -> memref<200x64xf32, #tpu.memory_space<vmem>>
    tpu.wait_dma2 semaphore(%dma_wait3A_124 : memref<!tpu.dma_semaphore, #tpu.memory_space<semaphore_mem>>) src(%dma_wait3A_132 : memref<200x64xf32, #tpu.memory_space<vmem>>) dst(%dma_wait3A_128 : memref<200x64xf32, #tpu.memory_space<hbm>>)
    return
  }
}

</mosaic_0001>

<sc_bundles>
// kernel: _gather_rows.3.cloned.1.call-start
scs
__scs_entry_jumppad:
0x0: {  	(pc) =	sbr.rel $0x88, $3  }
0x1: {  	(tag) =	ssettag $0x0;
	lr =	simm.s32 $0x1  }
0x2: {  	[smem:$0x3F9F] =	sst lr;
	_ =	strace $0xD0000000  }
0x3: {  	_ = 	snop  }
0x4: {  	_ = 	snop  }
0x5: {  	_ = 	snop  }
0x6: {  	_ = 	snop  }
0x7: {  	_ = 	snop  }
__scs_overlays_trampoline_lowered:
0x8: {  	[smem:$0x3FAE] =	sst s0  }
0x9: {  	[smem:$0x3FAF] =	sst s1  }
0xa: {  	[smem:$0x3FB0] =	sst s2  }
0xb: {  	[smem:$0x3FB1] =	sst s3  }
0xc: {  	[smem:$0x3FB2] =	sst s4  }
0xd: {  	[smem:$0x3FB3] =	sst s5  }
0xe: {  	[smem:$0x3FB4] =	sst s6  }
0xf: {  	[smem:$0x3FB5] =	sst s7  }
0x10: {  	[smem:$0x3FB6] =	sst s8  }
0x11: {  	[smem:$0x3FB7] =	sst s9;
	s0 =	simm.s32 @!p0 $0x0  }
0x12: {  	s1 =	sld [smem:$0x3F9D];
	s0 =	simm.s32 @p0 $0x1  }
0x13: {  	[smem:$0x3FB8] =	sst s0;
	s0 =	simm.s32 @!p1 $0x0  }
0x14: {  	s2 =	sld [smem:$0x3F9C];
	s0 =	simm.s32 @p1 $0x1  }
0x15: {  	[smem:$0x3FB9] =	sst s0;
	s0 =	simm.s32 @!p2 $0x0  }
0x16: {  	s3 =	sld [smem:$0x3FDB];
	s0 =	simm.s32 @p2 $0x1  }
0x17: {  	s4 =	simm.s32 $0x1BF5;
	[smem:$0x3FBB] =	sst s0  }
0x18: {  	s0 =	sld [smem:$0x3F9E];
	_ =	swait.ge [sflag:s4], $0x0  }
0x19: {  	s7 =	sld [smem:$0x3F9F]  }
0x1a: {  	s8 =	sadd.s32 $0xFFFFE003, lr  }
0x1b: {  	s9 =	sadd.s32 $0xFFFFFEF7, lr;
	s5 =	simm.s32 $0xFFFFFFFF;
	p2 =	slt.u32 s8, $0xFFFFF086  }
0x1c: {  	p1 =	slt.u32 s9, $0xF7A;
	s5 =	simm.s32 @!p2 $0x0  }
0x1d: {  	s5 =	simm.s32 @p1 $0x1;
	p0 =	seq.s32 s7, s2  }
0x1e: {  	s7 =	smul.u32 @!p0 $0xF7A, s2;
	p2 =	seq.s32 @!p0 s5, $0x0  }
0x1f: {  	s9 =	smul.u32 $0xF7A, s1;
	s8 =	simm.s32 @!p0 $0x1BF5;
	p2 =	por !p2, p0  }
0x20: {  	[sflag:s8] =	ssyncset.s32 @!p0 $0xFFFFF086;
	s6 =	sadd.s32 @!p0 s3, s7;
	s7 =	simm.s32 @!p0 $0x108  }
0x21: {  	s3 =	sadd.s32 s3, s9;
	s6 =	sadd.s32 @!p0 $0x88, s6;
	s7 =	simm.s32 @p2 $0x1082  }
0x22: {  	[simem:s7], [sflag:s8] =	dma.local @!p0 [hbm:s6], $0xF7A  }
0x23: {  	s9 =	sor.u32 $0xD0000000, s2;
	s6 =	simm.s32 $0x108;
	_ =	swait.ge @!p0 [sflag:s8], $0x0  }
0x24: {  	s3 =	sadd.s32 $0x88, s3;
	s6 =	simm.s32 @!p1 $0x1082;
	[sflag:s4] =	ssyncset.s32 $0xFFFFF086  }
0x25: {  	[simem:s6], [sflag:s4] =	dma.local [hbm:s3], $0xF7A  }
0x26: {  	[smem:$0x3F9F] =	sst s1;
	(tag) =	ssettag s2;
	_ =	strace s9  }
0x27: {  	s1 =	sld [smem:$0x3FAF]  }
0x28: {  	s2 =	sld [smem:$0x3FB0]  }
0x29: {  	s4 =	sld [smem:$0x3FB2]  }
0x2a: {  	p0 =	seq.s32 s5, $0x0;
	s5 =	sld [smem:$0x3FB3]  }
0x2b: {  	s6 =	sld [smem:$0x3FB4]  }
0x2c: {  	s7 =	sld [smem:$0x3FB5]  }
0x2d: {  	s3 =	simm.s32 $0x108;
	s8 =	sld [smem:$0x3FB6]  }
0x2e: {  	s3 =	simm.s32 @!p0 $0x1082;
	s9 =	sld [smem:$0x3FB7]  }
0x2f: {  	lr =	sadd.s32 s0, s3;
	s0 =	sld [smem:$0x3FAE]  }
0x30: {  	s3 =	sld [smem:$0x3FB1]  }
0x31: {  	[smem:$0x3FBA] =	sst s10  }
0x32: {  	s10 =	sld [smem:$0x3FB8];
	_ =	sdelay $0x3  }
0x33: {  	p0 =	seq.s32 s10, $0x1;
	s10 =	sld [smem:$0x3FBA];
	_ =	sdelay $0x3  }
0x34: {  	[smem:$0x3FBA] =	sst s10  }
0x35: {  	s10 =	sld [smem:$0x3FB9];
	_ =	sdelay $0x3  }
0x36: {  	p1 =	seq.s32 s10, $0x1;
	s10 =	sld [smem:$0x3FBA];
	_ =	sdelay $0x3  }
0x37: {  	[smem:$0x3FBA] =	sst s10  }
0x38: {  	s10 =	sld [smem:$0x3FBB]  }
0x39: {  	_ = 	snop;
	(pc) =	sbr.ind lr, $3  }
0x3a: {  	_ = 	snop  }
0x3b: {  	_ = 	snop  }
0x3c: {  	p2 =	seq.s32 s10, $0x1;
	s10 =	sld [smem:$0x3FBA]  }
0x3d: {  	_ =	shalt  }
0x3e: {  	_ =	shalt  }
0x3f: {  	_ =	shalt  }
0x40: {  	_ =	shalt  }
0x41: {  	_ =	shalt  }
0x42: {  	_ =	shalt  }
0x43: {  	_ =	shalt  }
0x44: {  	_ =	shalt  }
0x45: {  	_ =	shalt  }
0x46: {  	_ =	shalt  }
0x47: {  	_ =	shalt  }
0x48: {  	_ =	shalt  }
0x49: {  	_ =	shalt  }
0x4a: {  	_ =	shalt  }
0x4b: {  	_ =	shalt  }
0x4c: {  	_ =	shalt  }
0x4d: {  	_ =	shalt  }
0x4e: {  	_ =	shalt  }
0x4f: {  	_ =	shalt  }
0x50: {  	_ =	shalt  }
0x51: {  	_ =	shalt  }
0x52: {  	_ =	shalt  }
0x53: {  	_ =	shalt  }
0x54: {  	_ =	shalt  }
0x55: {  	_ =	shalt  }
0x56: {  	_ =	shalt  }
0x57: {  	_ =	shalt  }
0x58: {  	_ =	shalt  }
0x59: {  	_ =	shalt  }
0x5a: {  	_ =	shalt  }
0x5b: {  	_ =	shalt  }
0x5c: {  	_ =	shalt  }
0x5d: {  	_ =	shalt  }
0x5e: {  	_ =	shalt  }
0x5f: {  	_ =	shalt  }
0x60: {  	_ =	shalt  }
0x61: {  	_ =	shalt  }
0x62: {  	_ =	shalt  }
0x63: {  	_ =	shalt  }
0x64: {  	_ =	shalt  }
0x65: {  	_ =	shalt  }
0x66: {  	_ =	shalt  }
0x67: {  	_ =	shalt  }
0x68: {  	_ =	shalt  }
0x69: {  	_ =	shalt  }
0x6a: {  	_ =	shalt  }
0x6b: {  	_ =	shalt  }
0x6c: {  	_ =	shalt  }
0x6d: {  	_ =	shalt  }
0x6e: {  	_ =	shalt  }
0x6f: {  	_ =	shalt  }
0x70: {  	_ =	shalt  }
0x71: {  	_ =	shalt  }
0x72: {  	_ =	shalt  }
0x73: {  	_ =	shalt  }
0x74: {  	_ =	shalt  }
0x75: {  	_ =	shalt  }
0x76: {  	_ =	shalt  }
0x77: {  	_ =	shalt  }
0x78: {  	_ =	shalt  }
0x79: {  	_ =	shalt  }
0x7a: {  	_ =	shalt  }
0x7b: {  	_ =	shalt  }
0x7c: {  	_ =	shalt  }
0x7d: {  	_ =	shalt  }
0x7e: {  	_ =	shalt  }
0x7f: {  	_ =	shalt  }
0x80: {  	_ =	shalt  }
0x81: {  	_ =	shalt  }
0x82: {  	_ =	shalt  }
0x83: {  	_ =	shalt  }
0x84: {  	_ =	shalt  }
0x85: {  	_ =	shalt  }
0x86: {  	_ =	shalt  }
0x87: {  	_ =	shalt  }
.Lfunc_end0:
.L_simem_size_0:
called_computation_lowered:
.L_overlay_start_0:
0x88: {  	s2 =	sld [smem:$0x3FD9]  }
0x89: {  	s3 =	sld [smem:$0x3FFE];
	_ =	sdelay $0x1  }
0x8a: {  	s1 =	srdreg.scid  }
0x8b: {  	s0 =	sand.u32 $0x1, s1  }
0x8c: {  	s17 =	sshll.u32 s0, $0xA;
	s2 =	sadd.s32 s3, s2  }
0x8d: {  	s2 =	sadd.s32 s2, s17  }
0x8e: {  	[smem:$0x3FC6] =	sst s2  }
0x8f: {  	_ = 	snop  }
0x90: {  	s2 =	sld [smem:$0x3FC9]  }
0x91: {  	s18 =	sld [smem:$0x3FD0];
	(tm) =	ssettm $0x1  }
0x92: {  	s4 =	sld [smem:$0x3FFB];
	_ =	sdelay $0x3  }
0x93: {  	_ =	strace s4  }
0x94: {  	s4 =	sld [smem:$0x3FFC];
	_ =	sdelay $0x3  }
0x95: {  	_ =	strace s4  }
0x96: {  	s4 =	sld [smem:$0x3FFD];
	_ =	sdelay $0x3  }
0x97: {  	_ =	strace s4  }
0x98: {  	_ =	strace $0x8FFFFFFF  }
0x99: {  	s19 =	sld [smem:$0x3FDB];
	_ =	sdelay $0x1  }
0x9a: {  	s5 =	simm.s32 $_scs_section_size  }
0x9b: {  	s6 =	simm.s32 $_size__tile_overlayer_lowered;
	s7 =	simm.s32 $_tile_overlayer_lowered  }
0x9c: {  	s22 =	simm.s32 $0x1BFF;
	s21 =	sshll.u32 s7, $0x1;
	s4 =	sadd.s32 s5, s19  }
0x9d: {  	s8 =	simm.s32 $0x0;
	s20 =	sshll.u32 s6, $0x1;
	s6 =	sadd.s32 s21, s4  }
0x9e: {  	[timem:s8], [sflag:s22] =	dma.local [hbm:s6], s20  }
0x9f: {  	_ =	swait.ge [sflag:s22], s20  }
0xa0: {  	s5 =	ssub.s32 $0x0, s20;
	[sflag:s22] =	ssyncset.done $0x0  }
0xa1: {  	[sflag:s22] =	ssyncadd.s32 s5;
	_ =	sdelay $0x1  }
0xa2: {  	s23 =	simm.s32 $0x1B8B  }
0xa3: {  	_ =	swait.ge [sflag:s23], $0x1  }
0xa4: {  	[sflag:s23] =	ssyncset.done $0x0  }
0xa5: {  	s25 =	simm.s32 $0x1B8E;
	s24 =	sld [smem:$0x3FFE];
	[sflag:s23] =	ssyncadd.s32 $0xFFFFFFFF  }
0xa6: {  	s26 =	simm.s32 $execute0_lowered;
	[smem:$0x3FD2] =	sst s25  }
0xa7: {  	s6 =	sshll.u32 s26, $0x1;
	_ =	strace $0x80000046;
	[dreg:$0x1] =	wrdreg $0xFFFFFFFF  }
0xa8: {  	s28 =	simm.s32 $_size_execute0_lowered;
	s4 =	sadd.s32 s4, s6;
	[dreg:$0x0] =	wrdreg $0x0  }
0xa9: {  	s6 =	sshll.u32 s28, $0x1;
	[dreg:$0x2] =	wrdreg s4  }
0xaa: {  	[dreg:$0x3] =	wrdreg s6  }
0xab: {  	[dreg:$0x4] =	wrdreg $0xC0  }
0xac: {  	_ =	task [dreg:s8], $0x5FFFF  }
0xad: {  	[dreg:$0x1] =	wrdreg $0xFFFFFFFF  }
0xae: {  	[dreg:$0x0] =	wrdreg $0x60  }
0xaf: {  	[dreg:$0x2] =	wrdreg s24  }
0xb0: {  	[dreg:$0x3] =	wrdreg s2  }
0xb1: {  	[dreg:$0x4] =	wrdreg s18  }
0xb2: {  	[dreg:$0x5] =	wrdreg $0x9  }
0xb3: {  	_ =	task.clear_ibuf [dreg:s8], $0x6FFFF;
	_ =	strace $0x90000046  }
0xb4: {  	s29 =	simm.s32 $0x9;
	_ =	strace $0x80000048  }
0xb5: {  	_ =	swait.ge [sflag:s29], $0x1  }
0xb6: {  	[sflag:s29] =	ssyncadd.s32 $0xFFFFFFFF  }
0xb7: {  	_ =	strace $0x90000048  }
0xb8: {  	_ =	sfence  }
0xb9: {  	s30 =	sld [smem:$0x0];
	_ =	sdelay $0x2  }
0xba: {  	s31 =	sshll.u32 s1, $0xD;
	s1 =	sshrl.u32 s1, $0x2  }
0xbb: {  	s3 =	sand.u32 $0x4000, s31;
	s1 =	sadd.s32 s1, s30  }
0xbc: {  	s0 =	sor.u32 s3, s0;
	s1 =	sshll.u32 s1, $0x11  }
0xbd: {  	s0 =	sor.u32 s1, s0  }
0xbe: {  	s0 =	sadd.s32 $0x8F2B, s0  }
0xbf: {  	[sflag:s0] =	ssyncadd.remote.s32 $0x1  }
0xc0: {  	_ =	sfence.sel $0xFFFF  }
0xc1: {  	[dreg:$0x0] =	wrdreg $0xFFFFFFFF;
	(pc) =	sbr.abs _section_cstart, $3  }
0xc2: {  	[dreg:$0x1] =	wrdreg $0xFFFFFFFF  }
0xc3: {  	_ =	task.clear_ibuf [dreg:s8], $0x2FFFF;
	_ =	strace $0x9FFFFFFF  }
0xc4: {  	(tm) =	ssettm $0x7FFFFFFF  }
0xc5: {  	_ =	shalt  }
tec
execute0_lowered:
.L_overlay_start_1:
0x0: {  	(tag) =	ssettag $0x1  }
0x1: {  	s0 =	rddreg [dreg:$0x0]  }
0x2: {  	s1 =	rddreg [dreg:$0x1]  }
0x3: {  	s2 =	srdreg.scid;
	s9 =	stileid.u32  }
0x4: {  	s4 =	rddreg [dreg:$0x2];
	s11 =	simm.s32 $0x80;
	s13 =	simm.s32 $0x48  }
0x5: {  	s16 =	simm.s32 $0x3520;
	s19 =	simm.s32 $0x190;
	s20 =	simm.s32 $0x6720  }
0x6: {  	s22 =	simm.s32 $0x8720;
	s28 =	simm.s32 $0x2D8;
	s29 =	simm.s32 $0xB920  }
0x7: {  	s30 =	simm.s32 $0x2;
	s31 =	simm.s32 $0x5;
	s8 =	smul.u32 $0xC8000, s9  }
0x8: {  	s5 =	sand.u32 $0x1, s2;
	s3 =	sshll.u32 s9, $0x1;
	s9 =	smul.u32 $0x1900, s9  }
0x9: {  	s14 =	simm.s32 $0x4;
	s2 =	simm.s32 $0x0;
	s25 =	smul.u32 $0xC80, s5  }
0xa: {  	s3 =	sor.u32 s5, s3;
	s7 =	ssub.s32 $0x2, s5;
	s5 =	smul.u32 $0x64000, s5  }
0xb: {  	s17 =	simm.s32 $0x7;
	[smem:$0x7FF] =	sst s2;
	s6 =	smul.u32 $0xC80, s3  }
0xc: {  	_ =	strace $0x80000047;
	s23 =	sshrl.u32 s7, $0x1;
	s4 =	sadd.s32 s8, s4  }
0xd: {  	s3 =	sadd.s32 $0xF42800, s0;
	s0 =	ssub.s32 s7, s23;
	s8 =	sadd.s32 s5, s4  }
0xe: {  	s23 =	simm.s32 $0x1;
	s24 =	sadd.s32 s1, s6;
	s1 =	sadd.s32 s9, s1  }
0xf: {  	s0 =	smax.u32 s0, $0x1;
	s6 =	simm.s32 $0x0;
	s10 =	sadd.s32 $0x19, s24  }
.Ltmp0:
0x10: {  	[dreg:$0x4] =	wrdreg s24;
	s7 =	sadd.s32 $0x32, s24;
	(pc) =	sbr.rel .LBB2_1-.Ltmp0, $4  }
0x11: {  	s1 =	sadd.s32 s25, s1;
	[dreg:$0x7] =	wrdreg s0;
	s24 =	simm.s32 $0x40  }
0x12: {  	s25 =	simm.s32 $0x258;
	s0 =	simm.s32 $0x6;
	[dreg:$0x5] =	wrdreg s10  }
0x13: {  	[dreg:$0x6] =	wrdreg s7;
	s26 =	sadd.s32 $0x4B, s1;
	s10 =	simm.s32 $0x9  }
0x14: {  	s1 =	simm.s32 $0x3;
	[dreg:$0x8] =	wrdreg s26;
	s26 =	simm.s32 $0x9920  }
.LBB2_4:
0x15: {  	s5 =	simm.s32 $0x8  }
0x16: {  	_ =	swait.ge [sflag:s5], $0x3200  }
0x17: {  	s6 =	rddreg [dreg:$0x9]  }
0x18: {  	s4 =	rddreg [dreg:$0x7];
	s6 =	sadd.s32 $0x1, s6  }
0x19: {  	p0 =	sne.s32 s6, s4  }
.Ltmp1:
0x1a: {  	_ = 	snop;
	(pc) =	sbr.rel @!p0 .LBB2_5-.Ltmp1, $3  }
0x1b: {  	_ =	sdelay $0x1  }
0x1c: {  	[sflag:s5] =	ssyncset.done $0x0  }
0x1d: {  	[sflag:s5] =	ssyncadd.s32 $0xFFFFCE00  }
.LBB2_1:
0x1e: {  	[dreg:$0x9] =	wrdreg s6  }
0x1f: {  	s4 =	rddreg [dreg:$0x4]  }
0x20: {  	[tilespmem:s2], [sflag:$0x9] =	stream.linear.gather [hbm4b:s4+s2], $0xC8, $0x38;
	[tilespmem:$0xCB20] =	vst v63  }
0x21: {  	_ =	swait.ge [sflag:s10], $0xC8  }
0x22: {  	[sflag:s10] =	ssyncset.done $0x0  }
0x23: {  	s6 =	simm.s32 $0x320;
	[sflag:s10] =	ssyncadd.s32 $0xFFFFFF38  }
0x24: {  	[tilespmem:s6], [sflag:$0x1] =	stream.indirect.gather [hbm4b:s3+s11], $0x40, s2, s11, $0xb8;
	[tilespmem:$0xCB20] =	vst v63  }
0x25: {  	s7 =	simm.s32 $0x2320  }
0x26: {  	[tilespmem:s7], [sflag:$0x1] =	stream.indirect.gather [hbm4b:s3+s13], $0x40, s11, s13, $0xb8;
	[tilespmem:$0xCB20] =	vst v63  }
0x27: {  	s5 =	simm.s32 $0xC8;
	s9 =	rddreg [dreg:$0x5]  }
0x28: {  	[tilespmem:s5], [sflag:$0x9] =	stream.linear.gather [hbm4b:s9+s2], $0xC8, $0x38;
	[tilespmem:$0xCB20] =	vst v63  }
0x29: {  	_ =	swait.ge [sflag:s10], $0xC8  }
0x2a: {  	[sflag:s10] =	ssyncset.done $0x0  }
0x2b: {  	[sflag:s10] =	ssyncadd.s32 $0xFFFFFF38  }
0x2c: {  	[tilespmem:s16], [sflag:$0x2] =	stream.indirect.gather [hbm4b:s3+s11], $0x40, s5, s11, $0xb8;
	[tilespmem:$0xCB20] =	vst v63  }
0x2d: {  	s12 =	simm.s32 $0x148;
	s15 =	simm.s32 $0x5520  }
0x2e: {  	[tilespmem:s15], [sflag:$0x2] =	stream.indirect.gather [hbm4b:s3+s13], $0x40, s12, s13, $0xb8;
	[tilespmem:$0xCB20] =	vst v63  }
0x2f: {  	s18 =	rddreg [dreg:$0x6]  }
0x30: {  	[tilespmem:s19], [sflag:$0x9] =	stream.linear.gather [hbm4b:s18+s2], $0xC8, $0x38;
	[tilespmem:$0xCB20] =	vst v63  }
0x31: {  	_ =	swait.ge [sflag:s10], $0xC8  }
0x32: {  	[sflag:s10] =	ssyncset.done $0x0  }
0x33: {  	[sflag:s10] =	ssyncadd.s32 $0xFFFFFF38  }
0x34: {  	[tilespmem:s20], [sflag:$0x3] =	stream.indirect.gather [hbm4b:s3+s11], $0x40, s19, s11, $0xb8;
	[tilespmem:$0xCB20] =	vst v63  }
0x35: {  	s21 =	simm.s32 $0x210;
	s7 =	simm.s32 $0x0;
	s9 =	rddreg [dreg:$0x8]  }
0x36: {  	[tilespmem:s22], [sflag:$0x3] =	stream.indirect.gather [hbm4b:s3+s13], $0x40, s21, s13, $0xb8;
	[tilespmem:$0xCB20] =	vst v63  }
.LBB2_2:
0x37: {  	_ =	swait.ge [sflag:s23], $0x2000  }
0x38: {  	[sflag:s23] =	ssyncset.done $0x0  }
0x39: {  	[sflag:s23] =	ssyncadd.s32 $0xFFFFE000  }
0x3a: {  	_ =	swait.ge [sflag:s23], $0x1200  }
0x3b: {  	s4 =	sadd.s32 s7, s8;
	p0 =	seq.s32 s7, $0x0;
	[sflag:s23] =	ssyncset.done $0x0  }
0x3c: {  	s5 =	simm.s32 $0x320;
	s6 =	simm.s32 @!p0 $0x8;
	[sflag:s23] =	ssyncadd.s32 $0xFFFFEE00  }
0x3d: {  	[hbm4b:s4+s24] =	stream.strided.scatter [tilespmem:s5], [sflag:$0x5], $0x3200, s11, s24, $0x38;
	[tilespmem:$0xCB20] =	vst v63  }
0x3e: {  	_ =	swait.ge @!p0 [sflag:s6], $0x3200  }
0x3f: {  	[sflag:s6] =	ssyncset.done @!p0 $0x0  }
0x40: {  	[sflag:s6] =	ssyncadd.s32 @!p0 $0xFFFFCE00  }
0x41: {  	[tilespmem:s25], [sflag:$0x9] =	stream.linear.gather [hbm4b:s9+s2], $0xC8, $0x38;
	[tilespmem:$0xCB20] =	vst v63  }
0x42: {  	_ =	swait.ge [sflag:s10], $0xC8  }
0x43: {  	[sflag:s10] =	ssyncset.done $0x0  }
0x44: {  	[sflag:s10] =	ssyncadd.s32 $0xFFFFFF38  }
0x45: {  	[tilespmem:s26], [sflag:$0x4] =	stream.indirect.gather [hbm4b:s3+s11], $0x40, s25, s11, $0xb8;
	[tilespmem:$0xCB20] =	vst v63  }
0x46: {  	_ = 	snop  }
0x47: {  	[tilespmem:s29], [sflag:$0x4] =	stream.indirect.gather [hbm4b:s3+s13], $0x40, s28, s13, $0xb8;
	[tilespmem:$0xCB20] =	vst v63  }
0x48: {  	_ =	swait.ge [sflag:s30], $0x2000  }
0x49: {  	[sflag:s30] =	ssyncset.done $0x0  }
0x4a: {  	[sflag:s30] =	ssyncadd.s32 $0xFFFFE000  }
0x4b: {  	_ =	swait.ge [sflag:s30], $0x1200  }
0x4c: {  	[sflag:s30] =	ssyncset.done $0x0  }
0x4d: {  	s18 =	sadd.s32 $0xC80, s4;
	[sflag:s30] =	ssyncadd.s32 $0xFFFFEE00  }
0x4e: {  	[hbm4b:s18+s24] =	stream.strided.scatter [tilespmem:s16], [sflag:$0x6], $0x3200, s11, s24, $0x38;
	[tilespmem:$0xCB20] =	vst v63  }
0x4f: {  	_ =	swait.ge [sflag:s31], $0x3200  }
0x50: {  	p0 =	seq.s32 s7, $0x60E00;
	[sflag:s31] =	ssyncset.done $0x0  }
0x51: {  	s6 =	sadd.s32 @!p0 $0x19, s9;
	s15 =	simm.s32 @!p0 $0x0;
	[sflag:s31] =	ssyncadd.s32 $0xFFFFCE00  }
0x52: {  	[tilespmem:s15], [sflag:$0x9] =	stream.linear.gather @!p0 [hbm4b:s6+s15], $0xC8, $0x38;
	[tilespmem:$0xCB20] =	vst v63  }
0x53: {  	s6 =	simm.s32 @!p0 $0x9  }
0x54: {  	_ =	swait.ge @!p0 [sflag:s6], $0xC8  }
0x55: {  	[sflag:s6] =	ssyncset.done @!p0 $0x0  }
0x56: {  	s5 =	simm.s32 @!p0 $0x320;
	s18 =	simm.s32 @!p0 $0x80;
	[sflag:s6] =	ssyncadd.s32 @!p0 $0xFFFFFF38  }
0x57: {  	[tilespmem:s5], [sflag:$0x1] =	stream.indirect.gather @!p0 [hbm4b:s3+s18], $0x40, s15, s18, $0xb8;
	[tilespmem:$0xCB20] =	vst v63  }
0x58: {  	s12 =	simm.s32 @!p0 $0x2320;
	s5 =	simm.s32 @!p0 $0x48  }
0x59: {  	[tilespmem:s12], [sflag:$0x1] =	stream.indirect.gather @!p0 [hbm4b:s3+s5], $0x40, s18, s5, $0xb8;
	[tilespmem:$0xCB20] =	vst v63  }
0x5a: {  	_ =	swait.ge [sflag:s1], $0x2000  }
0x5b: {  	[sflag:s1] =	ssyncset.done $0x0  }
0x5c: {  	[sflag:s1] =	ssyncadd.s32 $0xFFFFE000  }
0x5d: {  	_ =	swait.ge [sflag:s1], $0x1200  }
0x5e: {  	[sflag:s1] =	ssyncset.done $0x0  }
0x5f: {  	s21 =	sadd.s32 $0x1900, s4;
	[sflag:s1] =	ssyncadd.s32 $0xFFFFEE00  }
0x60: {  	[hbm4b:s21+s24] =	stream.strided.scatter [tilespmem:s20], [sflag:$0x7], $0x3200, s11, s24, $0x38;
	[tilespmem:$0xCB20] =	vst v63  }
0x61: {  	_ =	swait.ge [sflag:s0], $0x3200  }
0x62: {  	[sflag:s0] =	ssyncset.done $0x0  }
0x63: {  	s12 =	sadd.s32 @!p0 $0x32, s9;
	s21 =	simm.s32 @!p0 $0xC8;
	[sflag:s0] =	ssyncadd.s32 $0xFFFFCE00  }
0x64: {  	[tilespmem:s21], [sflag:$0x9] =	stream.linear.gather @!p0 [hbm4b:s12+s15], $0xC8, $0x38;
	[tilespmem:$0xCB20] =	vst v63  }
0x65: {  	_ =	swait.ge @!p0 [sflag:s6], $0xC8  }
0x66: {  	[sflag:s6] =	ssyncset.done @!p0 $0x0  }
0x67: {  	[sflag:s6] =	ssyncadd.s32 @!p0 $0xFFFFFF38;
	s6 =	simm.s32 @!p0 $0x3520  }
0x68: {  	[tilespmem:s6], [sflag:$0x2] =	stream.indirect.gather @!p0 [hbm4b:s3+s18], $0x40, s21, s18, $0xb8;
	[tilespmem:$0xCB20] =	vst v63  }
0x69: {  	s12 =	simm.s32 @!p0 $0x5520;
	s6 =	simm.s32 @!p0 $0x148  }
0x6a: {  	[tilespmem:s12], [sflag:$0x2] =	stream.indirect.gather @!p0 [hbm4b:s3+s5], $0x40, s6, s5, $0xb8;
	[tilespmem:$0xCB20] =	vst v63  }
0x6b: {  	_ =	swait.ge [sflag:s14], $0x2000  }
0x6c: {  	[sflag:s14] =	ssyncset.done $0x0  }
0x6d: {  	[sflag:s14] =	ssyncadd.s32 $0xFFFFE000  }
0x6e: {  	_ =	swait.ge [sflag:s14], $0x1200  }
0x6f: {  	[sflag:s14] =	ssyncset.done $0x0  }
.Ltmp2:
0x70: {  	s4 =	sadd.s32 $0x2580, s4;
	[sflag:s14] =	ssyncadd.s32 $0xFFFFEE00;
	(pc) =	sbr.rel @p0 .LBB2_4-.Ltmp2, $4  }
0x71: {  	[hbm4b:s4+s24] =	stream.strided.scatter [tilespmem:s26], [sflag:$0x8], $0x3200, s11, s24, $0x38;
	[tilespmem:$0xCB20] =	vst v63  }
0x72: {  	_ =	swait.ge [sflag:s17], $0x3200  }
0x73: {  	[sflag:s17] =	ssyncset.done $0x0  }
0x74: {  	[sflag:s17] =	ssyncadd.s32 $0xFFFFCE00  }
0x75: {  	s4 =	sadd.s32 $0x4B, s9  }
0x76: {  	[tilespmem:s19], [sflag:$0x9] =	stream.linear.gather [hbm4b:s4+s2], $0xC8, $0x38;
	[tilespmem:$0xCB20] =	vst v63  }
0x77: {  	_ =	swait.ge [sflag:s10], $0xC8  }
.Ltmp3:
0x78: {  	[sflag:s10] =	ssyncset.done $0x0;
	(pc) =	sbr.rel .LBB2_2-.Ltmp3, $4  }
0x79: {  	[sflag:s10] =	ssyncadd.s32 $0xFFFFFF38  }
0x7a: {  	[tilespmem:s20], [sflag:$0x3] =	stream.indirect.gather [hbm4b:s3+s11], $0x40, s19, s11, $0xb8;
	[tilespmem:$0xCB20] =	vst v63  }
0x7b: {  	s21 =	simm.s32 $0x210;
	s7 =	sadd.s32 $0x3200, s7;
	s9 =	sadd.s32 $0x64, s9  }
0x7c: {  	[tilespmem:s22], [sflag:$0x3] =	stream.indirect.gather [hbm4b:s3+s13], $0x40, s21, s13, $0xb8;
	[tilespmem:$0xCB20] =	vst v63  }
.LBB2_5:
0x7d: {  	_ =	sfence.sel $0x180000  }
0x7e: {  	[bflag:$0x0] =	sbarrier.arrive $0xFFFF  }
0x7f: {  	_ =	strace $0x90000047  }
0x80: {  	s0 =	stileid.u32;
	[bflag:$0x2] =	sbarrier.arrive $0xFFFF  }
0x81: {  	p0 =	sne.s32 s0, $0x0;
	s0 =	rddreg [dreg:$0x3]  }
0x82: {  	s0 =	sadd.s32 @!p0 $0x100000, s0  }
0x83: {  	[sflag:s0] =	ssyncadd.tile.s32 @!p0 $0x1;
	_ =	shalt  }
.Lfunc_end2:
_tile_overlayer_lowered:
.L_overlay_start_2:
0x84: {  	(tag) =	ssettag $0x2  }
0x85: {  	s0 =	rddreg [dreg:$0x0];
	s2 =	stileid.u32  }
0x86: {  	s1 =	rddreg [dreg:$0x1];
	p0 =	sne.s32 s2, $0x0  }
0x87: {  	s3 =	rddreg [dreg:$0x2];
	[bflag:$0x3] =	sbarrier.arrive $0xFFFF;
	s2 =	simm.s32 @!p0 $0x1C09  }
0x88: {  	[timem:s3], [sflag:s2] =	dma.local @!p0 [hbm:s0], s1  }
0x89: {  	s0 =	simm.s32 @!p0 $0x9  }
0x8a: {  	_ =	swait.ge @!p0 [sflag:s0], s1  }
0x8b: {  	s1 =	ssub.s32 @!p0 $0x0, s1;
	[sflag:s0] =	ssyncset.done @!p0 $0x0  }
0x8c: {  	[sflag:s0] =	ssyncadd.s32 @!p0 s1  }
0x8d: {  	[bflag:$0x3] =	sbarrier.arrive $0xFFFF  }
0x8e: {  	_ =	shalt  }

</sc_bundles>
